<compile_context>
chip_gen: v7x
topology: tpu7x:2x2x1
jax: 0.10.2.dev20260603
libtpu: 0.0.44.dev20260713+nightly
codegen_flags: <defaults>
</compile_context>

<pallas_src>
import functools

import jax
import jax.numpy as jnp
from jax import lax
from jax.experimental import pallas as pl
from jax.experimental.pallas import tpu as pltpu
from jax.experimental.pallas import tpu_sc as plsc

_B, _T, _D = 16, 1024, 256
_K = 1024
_N = _B * _T
_BLK = 2048
_NBLK = _N // _BLK
_COMMIT = 0.25


def _sumsq_rows(v):
    v2 = v * v
    h = v2[:, :128] + v2[:, 128:]
    ht = h.T
    acc = ht[0:8, :]
    for t in range(1, 16):
        acc = acc + ht[8 * t:8 * t + 8, :]
    a = [acc[s:s + 1, :] for s in range(8)]
    return (((a[5] + a[1]) + (a[7] + a[3]))
            + ((a[6] + a[2]) + (a[0] + a[4])))


def _round_bf16_rne(v):
    bits = lax.bitcast_convert_type(v, jnp.int32)
    rb = bits + 0x7FFF + ((bits >> 16) & 1)
    rb = rb & jnp.int32(-65536)
    return lax.bitcast_convert_type(rb, jnp.float32)


def _dist_argmin_kernel(x_ref, cb_ref, idx_ref, bsum_ref, cbq_ref, b2_ref):
    i = pl.program_id(0)

    @pl.when(i == 0)
    def _():
        cb = cb_ref[...]
        b2_ref[...] = _sumsq_rows(cb)
        cbq_ref[...] = _round_bf16_rne(cb)

    x = x_ref[...]
    a2 = _sumsq_rows(x).T
    ab = lax.dot_general(x, cb_ref[...], (((1,), (1,)), ((), ())),
                         preferred_element_type=jnp.float32)
    d = a2 - 2.0 * ab + b2_ref[...]
    minval = jnp.min(d, axis=1, keepdims=True)
    iota = lax.broadcasted_iota(jnp.int32, (_BLK, _K), 1)
    idx = jnp.min(jnp.where(d == minval, iota, _K), axis=1)
    idx_ref[...] = idx
    bsum_ref[i] = jnp.sum(minval)


def _dist_argmin(x2, cb):
    return pl.pallas_call(
        _dist_argmin_kernel,
        grid=(_NBLK,),
        in_specs=[
            pl.BlockSpec((_BLK, _D), lambda i: (i, 0)),
            pl.BlockSpec((_K, _D), lambda i: (0, 0)),
        ],
        out_specs=[
            pl.BlockSpec((_BLK,), lambda i: (i,)),
            pl.BlockSpec(memory_space=pltpu.SMEM),
            pl.BlockSpec((_K, _D), lambda i: (0, 0)),
        ],
        out_shape=[
            jax.ShapeDtypeStruct((_N,), jnp.int32),
            jax.ShapeDtypeStruct((_NBLK,), jnp.float32),
            jax.ShapeDtypeStruct((_K, _D), jnp.float32),
        ],
        scratch_shapes=[pltpu.VMEM((1, _K), jnp.float32)],
    )(x2, cb)


_NW = 32
_BPW = _N // _NW
_CH = 64
_NCH = _BPW // _CH
_NBUF = 4


def _sc_gather(cbq, idx):
    mesh = plsc.VectorSubcoreMesh(core_axis_name="c", subcore_axis_name="s")

    @functools.partial(
        pl.kernel, mesh=mesh,
        out_type=jax.ShapeDtypeStruct((_N, _D), jnp.float32),
        scratch_types=[
            pltpu.VMEM((_BPW,), jnp.int32),
            pltpu.VMEM((_NBUF, _CH, _D), jnp.float32),
        ] + [pltpu.SemaphoreType.DMA] * (2 * _NBUF),
    )
    def k(table_hbm, idx_hbm, out_hbm, idx_v, rows_v, *sems):
        gsem, ssem = sems[:_NBUF], sems[_NBUF:]
        wid = lax.axis_index("s") * 2 + lax.axis_index("c")
        base = wid * _BPW
        pltpu.sync_copy(idx_hbm.at[pl.ds(base, _BPW)], idx_v)
        for p in range(_NBUF):
            pltpu.async_copy(
                table_hbm.at[idx_v.at[pl.ds(p * _CH, _CH)]],
                rows_v.at[p], gsem[p])
        for c in range(_NCH):
            b = c % _NBUF
            pltpu.make_async_copy(
                table_hbm.at[idx_v.at[pl.ds(c * _CH, _CH)]],
                rows_v.at[b], gsem[b]).wait()
            pltpu.async_copy(rows_v.at[b],
                             out_hbm.at[pl.ds(base + c * _CH, _CH)], ssem[b])
            n = c + _NBUF
            if n < _NCH:
                pltpu.make_async_copy(
                    rows_v.at[b],
                    out_hbm.at[pl.ds(base + c * _CH, _CH)], ssem[b]).wait()
                pltpu.async_copy(
                    table_hbm.at[idx_v.at[pl.ds(n * _CH, _CH)]],
                    rows_v.at[b], gsem[b])
        for c in range(max(0, _NCH - _NBUF), _NCH):
            b = c % _NBUF
            pltpu.make_async_copy(
                rows_v.at[b],
                out_hbm.at[pl.ds(base + c * _CH, _CH)], ssem[b]).wait()

    return k(cbq, idx)


def kernel(x, codebook):
    x2 = x.reshape(_N, _D)
    idx, bsums, cbq = _dist_argmin(x2, codebook)
    quantized = _sc_gather(cbq, idx).reshape(_B, _T, _D)
    loss = jnp.sum(bsums) * ((1.0 + _COMMIT) / (_N * _D))
    return quantized, loss, idx.reshape(_B, _T)

# --- scband reference (transcript-rebuilt; emitter-appended) ---
"""Pipeline reference for scband-vqvae-11879879544402 (READ-ONLY COPY).

The authoritative reference and input builder live on the scoring server;
editing this copy changes nothing except your own understanding.
"""

import jax, jax.numpy as jnp
import numpy as np

B, T, D = 16, 1024, 256
K = 1024
COMMITMENT_COST = 0.25


def setup_inputs(seed: int = 0) -> dict:
    key = jax.random.key(seed)
    k1, k2 = jax.random.split(key)
    x = jax.random.normal(k1, (B, T, D), dtype=jnp.float32)
    # variance_scaling(scale=1.0, mode='fan_in', distribution='uniform') for shape (K, D): fan_in = D
    limit = float(np.sqrt(3.0 / D))
    codebook = jax.random.uniform(k2, (K, D), dtype=jnp.float32, minval=-limit, maxval=limit)
    return {"x": x, "codebook": codebook}


def squared_euclidean_distance(a, b):
    # a: [N, D], b: [K, D] -> [N, K]
    a2 = jnp.sum(jnp.square(a), axis=-1, keepdims=True)
    b2 = jnp.sum(jnp.square(b), axis=-1)[None, :]
    ab = jnp.dot(a, b.T)
    return a2 - 2.0 * ab + b2


def reference(x, codebook):
    x_flat = jnp.reshape(x, (-1, x.shape[-1]))
    distances = jnp.reshape(
        squared_euclidean_distance(x_flat, codebook), x.shape[:-1] + (K,)
    )
    encoding_indices = jnp.argmin(distances, axis=-1)
    encodings = jax.nn.one_hot(encoding_indices, K, dtype=jnp.float32)
    quantized = jnp.dot(encodings, codebook)
    # train-mode losses
    e_latent_loss = jnp.mean((jax.lax.stop_gradient(quantized) - x) ** 2) * COMMITMENT_COST
    q_latent_loss = jnp.mean((quantized - jax.lax.stop_gradient(x)) ** 2)
    loss = e_latent_loss + q_latent_loss
    # straight-through estimator
    quantized = x + jax.lax.stop_gradient(quantized - x)
    return quantized, loss, encoding_indices

if __name__ == "__main__":
    import jax
    _d = setup_inputs()
    print(jax.jit(kernel)(*tuple(_d.values())))

</pallas_src>

<mosaic_0001>
#map = affine_map<(d0, d1) -> (0, 0)>
#map1 = affine_map<(d0, d1) -> (0)>
module attributes {stable_mosaic.version = 14 : i64} {
  func.func @k(%arg0: i32, %arg1: i32, %arg2: memref<1024x256xf32, #tpu.memory_space<hbm>>, %arg3: memref<16384xi32, #tpu.memory_space<hbm>>, %arg4: memref<16384x256xf32, #tpu.memory_space<hbm>>, %arg5: memref<512xi32, #tpu.memory_space<vmem>>, %arg6: memref<4x64x256xf32, #tpu.memory_space<vmem>>, %arg7: memref<!tpu.dma_semaphore, #tpu.memory_space<semaphore_mem>>, %arg8: memref<!tpu.dma_semaphore, #tpu.memory_space<semaphore_mem>>, %arg9: memref<!tpu.dma_semaphore, #tpu.memory_space<semaphore_mem>>, %arg10: memref<!tpu.dma_semaphore, #tpu.memory_space<semaphore_mem>>, %arg11: memref<!tpu.dma_semaphore, #tpu.memory_space<semaphore_mem>>, %arg12: memref<!tpu.dma_semaphore, #tpu.memory_space<semaphore_mem>>, %arg13: memref<!tpu.dma_semaphore, #tpu.memory_space<semaphore_mem>>, %arg14: memref<!tpu.dma_semaphore, #tpu.memory_space<semaphore_mem>>) attributes {dimension_semantics = [#tpu.dimension_semantics<core_parallel>, #tpu.dimension_semantics<subcore_parallel>], iteration_bounds = array<i64: 2, 16>, scalar_prefetch = 0 : i64, scratch_operands = 10 : i64, tpu.core_type = #tpu.core_type<sc_vector_subcore>, window_params = [{transform_indices = #map}, {transform_indices = #map1}, {transform_indices = #map}]} {
    %mul3A = arith.constant 2 : i32
    %mul3A_0 = arith.muli %arg1, %mul3A : i32
    %add3A = arith.addi %mul3A_0, %arg0 : i32
    %mul3A_1 = arith.constant 512 : i32
    %mul3A_2 = arith.muli %add3A, %mul3A_1 : i32
    "tpu.region"() ({
      %run_scoped3A = tpu.sem_alloc : memref<!tpu.dma_semaphore, #tpu.memory_space<semaphore_mem>>
      %dma_start3A_401 = tpu.memref_slice %arg3[%mul3A_2] : memref<16384xi32, #tpu.memory_space<hbm>> -> memref<512xi32, #tpu.memory_space<hbm>>
      %dma_start3A_402 = tpu.memref_slice %arg3[%mul3A_2] : memref<16384xi32, #tpu.memory_space<hbm>> -> memref<512xi32, #tpu.memory_space<hbm>>
      tpu.enqueue_dma source(%dma_start3A_402 : memref<512xi32, #tpu.memory_space<hbm>>) target(%arg5 : memref<512xi32, #tpu.memory_space<vmem>>) target_semaphore(%run_scoped3A : memref<!tpu.dma_semaphore, #tpu.memory_space<semaphore_mem>>)
      %dma_wait3A_403 = tpu.memref_slice %arg3[%mul3A_2] : memref<16384xi32, #tpu.memory_space<hbm>> -> memref<512xi32, #tpu.memory_space<hbm>>
      %dma_wait3A_404 = tpu.memref_slice %arg3[%mul3A_2] : memref<16384xi32, #tpu.memory_space<hbm>> -> memref<512xi32, #tpu.memory_space<hbm>>
      tpu.wait_dma2 semaphore(%run_scoped3A : memref<!tpu.dma_semaphore, #tpu.memory_space<semaphore_mem>>) src(%dma_wait3A_404 : memref<512xi32, #tpu.memory_space<hbm>>) dst(%arg5 : memref<512xi32, #tpu.memory_space<vmem>>)
      tpu.yield
    }) : () -> ()
    %dma_start3A = arith.constant 0 : i32
    %dma_start3A_3 = arith.constant 0 : i32
    %dma_start3A_4 = arith.constant 0 : i32
    %dma_start3A_5 = tpu.memref_slice %arg6[%dma_start3A, %dma_start3A_3, %dma_start3A_4] : memref<4x64x256xf32, #tpu.memory_space<vmem>> -> memref<1x64x256xf32, #tpu.memory_space<vmem>>
    %dma_start3A_6 = tpu.memref_squeeze %dma_start3A_5 : memref<1x64x256xf32, #tpu.memory_space<vmem>> -> memref<64x256xf32, #tpu.memory_space<vmem>>
    %dma_start3A_7 = arith.constant 0 : i32
    %dma_start3A_8 = tpu.memref_slice %arg5[%dma_start3A_7] : memref<512xi32, #tpu.memory_space<vmem>> -> memref<64xi32, #tpu.memory_space<vmem>>
    %dma_start3A_9 = arith.constant 0 : i32
    %dma_start3A_10 = arith.constant 0 : i32
    %dma_start3A_11 = tpu.memref_slice %arg2[%dma_start3A_9, %dma_start3A_10] : memref<1024x256xf32, #tpu.memory_space<hbm>> -> memref<1024x256xf32, #tpu.memory_space<hbm>>
    tpu.enqueue_indirect_dma source(%dma_start3A_11 : memref<1024x256xf32, #tpu.memory_space<hbm>>) target(%dma_start3A_6 : memref<64x256xf32, #tpu.memory_space<vmem>>) offsets(%dma_start3A_8 : memref<64xi32, #tpu.memory_space<vmem>>) semaphore(%arg7 : memref<!tpu.dma_semaphore, #tpu.memory_space<semaphore_mem>>)
    %dma_start3A_12 = arith.constant 1 : i32
    %dma_start3A_13 = arith.constant 0 : i32
    %dma_start3A_14 = arith.constant 0 : i32
    %dma_start3A_15 = tpu.memref_slice %arg6[%dma_start3A_12, %dma_start3A_13, %dma_start3A_14] : memref<4x64x256xf32, #tpu.memory_space<vmem>> -> memref<1x64x256xf32, #tpu.memory_space<vmem>>
    %dma_start3A_16 = tpu.memref_squeeze %dma_start3A_15 : memref<1x64x256xf32, #tpu.memory_space<vmem>> -> memref<64x256xf32, #tpu.memory_space<vmem>>
    %dma_start3A_17 = arith.constant 64 : i32
    %dma_start3A_18 = tpu.memref_slice %arg5[%dma_start3A_17] : memref<512xi32, #tpu.memory_space<vmem>> -> memref<64xi32, #tpu.memory_space<vmem>>
    %dma_start3A_19 = arith.constant 0 : i32
    %dma_start3A_20 = arith.constant 0 : i32
    %dma_start3A_21 = tpu.memref_slice %arg2[%dma_start3A_19, %dma_start3A_20] : memref<1024x256xf32, #tpu.memory_space<hbm>> -> memref<1024x256xf32, #tpu.memory_space<hbm>>
    tpu.enqueue_indirect_dma source(%dma_start3A_21 : memref<1024x256xf32, #tpu.memory_space<hbm>>) target(%dma_start3A_16 : memref<64x256xf32, #tpu.memory_space<vmem>>) offsets(%dma_start3A_18 : memref<64xi32, #tpu.memory_space<vmem>>) semaphore(%arg8 : memref<!tpu.dma_semaphore, #tpu.memory_space<semaphore_mem>>)
    %dma_start3A_22 = arith.constant 2 : i32
    %dma_start3A_23 = arith.constant 0 : i32
    %dma_start3A_24 = arith.constant 0 : i32
    %dma_start3A_25 = tpu.memref_slice %arg6[%dma_start3A_22, %dma_start3A_23, %dma_start3A_24] : memref<4x64x256xf32, #tpu.memory_space<vmem>> -> memref<1x64x256xf32, #tpu.memory_space<vmem>>
    %dma_start3A_26 = tpu.memref_squeeze %dma_start3A_25 : memref<1x64x256xf32, #tpu.memory_space<vmem>> -> memref<64x256xf32, #tpu.memory_space<vmem>>
    %dma_start3A_27 = arith.constant 128 : i32
    %dma_start3A_28 = tpu.memref_slice %arg5[%dma_start3A_27] : memref<512xi32, #tpu.memory_space<vmem>> -> memref<64xi32, #tpu.memory_space<vmem>>
    %dma_start3A_29 = arith.constant 0 : i32
    %dma_start3A_30 = arith.constant 0 : i32
    %dma_start3A_31 = tpu.memref_slice %arg2[%dma_start3A_29, %dma_start3A_30] : memref<1024x256xf32, #tpu.memory_space<hbm>> -> memref<1024x256xf32, #tpu.memory_space<hbm>>
    tpu.enqueue_indirect_dma source(%dma_start3A_31 : memref<1024x256xf32, #tpu.memory_space<hbm>>) target(%dma_start3A_26 : memref<64x256xf32, #tpu.memory_space<vmem>>) offsets(%dma_start3A_28 : memref<64xi32, #tpu.memory_space<vmem>>) semaphore(%arg9 : memref<!tpu.dma_semaphore, #tpu.memory_space<semaphore_mem>>)
    %dma_start3A_32 = arith.constant 3 : i32
    %dma_start3A_33 = arith.constant 0 : i32
    %dma_start3A_34 = arith.constant 0 : i32
    %dma_start3A_35 = tpu.memref_slice %arg6[%dma_start3A_32, %dma_start3A_33, %dma_start3A_34] : memref<4x64x256xf32, #tpu.memory_space<vmem>> -> memref<1x64x256xf32, #tpu.memory_space<vmem>>
    %dma_start3A_36 = tpu.memref_squeeze %dma_start3A_35 : memref<1x64x256xf32, #tpu.memory_space<vmem>> -> memref<64x256xf32, #tpu.memory_space<vmem>>
    %dma_start3A_37 = arith.constant 192 : i32
    %dma_start3A_38 = tpu.memref_slice %arg5[%dma_start3A_37] : memref<512xi32, #tpu.memory_space<vmem>> -> memref<64xi32, #tpu.memory_space<vmem>>
    %dma_start3A_39 = arith.constant 0 : i32
    %dma_start3A_40 = arith.constant 0 : i32
    %dma_start3A_41 = tpu.memref_slice %arg2[%dma_start3A_39, %dma_start3A_40] : memref<1024x256xf32, #tpu.memory_space<hbm>> -> memref<1024x256xf32, #tpu.memory_space<hbm>>
    tpu.enqueue_indirect_dma source(%dma_start3A_41 : memref<1024x256xf32, #tpu.memory_space<hbm>>) target(%dma_start3A_36 : memref<64x256xf32, #tpu.memory_space<vmem>>) offsets(%dma_start3A_38 : memref<64xi32, #tpu.memory_space<vmem>>) semaphore(%arg10 : memref<!tpu.dma_semaphore, #tpu.memory_space<semaphore_mem>>)
    %dma_wait3A = arith.constant 0 : i32
    %dma_wait3A_42 = arith.constant 0 : i32
    %dma_wait3A_43 = arith.constant 0 : i32
    %dma_wait3A_44 = tpu.memref_slice %arg6[%dma_wait3A, %dma_wait3A_42, %dma_wait3A_43] : memref<4x64x256xf32, #tpu.memory_space<vmem>> -> memref<1x64x256xf32, #tpu.memory_space<vmem>>
    %dma_wait3A_45 = tpu.memref_squeeze %dma_wait3A_44 : memref<1x64x256xf32, #tpu.memory_space<vmem>> -> memref<64x256xf32, #tpu.memory_space<vmem>>
    %dma_wait3A_46 = arith.constant 0 : i32
    %dma_wait3A_47 = tpu.memref_slice %arg5[%dma_wait3A_46] : memref<512xi32, #tpu.memory_space<vmem>> -> memref<64xi32, #tpu.memory_space<vmem>>
    %dma_wait3A_48 = arith.constant 0 : i32
    %dma_wait3A_49 = arith.constant 0 : i32
    %dma_wait3A_50 = tpu.memref_slice %arg2[%dma_wait3A_48, %dma_wait3A_49] : memref<1024x256xf32, #tpu.memory_space<hbm>> -> memref<1024x256xf32, #tpu.memory_space<hbm>>
    tpu.wait_indirect_dma semaphore(%arg7 : memref<!tpu.dma_semaphore, #tpu.memory_space<semaphore_mem>>) src(%dma_wait3A_50 : memref<1024x256xf32, #tpu.memory_space<hbm>>) dst(%dma_wait3A_45 : memref<64x256xf32, #tpu.memory_space<vmem>>)
    %add3A_51 = arith.constant 0 : i32
    %add3A_52 = arith.addi %mul3A_2, %add3A_51 : i32
    %dma_start3A_53 = arith.constant 0 : i32
    %dma_start3A_54 = arith.constant 0 : i32
    %dma_start3A_55 = arith.constant 0 : i32
    %dma_start3A_56 = tpu.memref_slice %arg6[%dma_start3A_53, %dma_start3A_54, %dma_start3A_55] : memref<4x64x256xf32, #tpu.memory_space<vmem>> -> memref<1x64x256xf32, #tpu.memory_space<vmem>>
    %dma_start3A_57 = tpu.memref_squeeze %dma_start3A_56 : memref<1x64x256xf32, #tpu.memory_space<vmem>> -> memref<64x256xf32, #tpu.memory_space<vmem>>
    %dma_start3A_58 = arith.constant 0 : i32
    %dma_start3A_59 = tpu.memref_slice %arg4[%add3A_52, %dma_start3A_58] : memref<16384x256xf32, #tpu.memory_space<hbm>> -> memref<64x256xf32, #tpu.memory_space<hbm>>
    %dma_start3A_60 = arith.constant 0 : i32
    %dma_start3A_61 = tpu.memref_slice %arg4[%add3A_52, %dma_start3A_60] : memref<16384x256xf32, #tpu.memory_space<hbm>> -> memref<64x256xf32, #tpu.memory_space<hbm>>
    %dma_start3A_62 = arith.constant 0 : i32
    %dma_start3A_63 = arith.constant 0 : i32
    %dma_start3A_64 = tpu.memref_slice %arg6[%dma_start3A_53, %dma_start3A_62, %dma_start3A_63] : memref<4x64x256xf32, #tpu.memory_space<vmem>> -> memref<1x64x256xf32, #tpu.memory_space<vmem>>
    %dma_start3A_65 = tpu.memref_squeeze %dma_start3A_64 : memref<1x64x256xf32, #tpu.memory_space<vmem>> -> memref<64x256xf32, #tpu.memory_space<vmem>>
    tpu.enqueue_dma source(%dma_start3A_65 : memref<64x256xf32, #tpu.memory_space<vmem>>) target(%dma_start3A_61 : memref<64x256xf32, #tpu.memory_space<hbm>>) target_semaphore(%arg11 : memref<!tpu.dma_semaphore, #tpu.memory_space<semaphore_mem>>)
    %add3A_66 = arith.constant 0 : i32
    %add3A_67 = arith.addi %mul3A_2, %add3A_66 : i32
    %dma_wait3A_68 = arith.constant 0 : i32
    %dma_wait3A_69 = arith.constant 0 : i32
    %dma_wait3A_70 = arith.constant 0 : i32
    %dma_wait3A_71 = tpu.memref_slice %arg6[%dma_wait3A_68, %dma_wait3A_69, %dma_wait3A_70] : memref<4x64x256xf32, #tpu.memory_space<vmem>> -> memref<1x64x256xf32, #tpu.memory_space<vmem>>
    %dma_wait3A_72 = tpu.memref_squeeze %dma_wait3A_71 : memref<1x64x256xf32, #tpu.memory_space<vmem>> -> memref<64x256xf32, #tpu.memory_space<vmem>>
    %dma_wait3A_73 = arith.constant 0 : i32
    %dma_wait3A_74 = tpu.memref_slice %arg4[%add3A_67, %dma_wait3A_73] : memref<16384x256xf32, #tpu.memory_space<hbm>> -> memref<64x256xf32, #tpu.memory_space<hbm>>
    %dma_wait3A_75 = arith.constant 0 : i32
    %dma_wait3A_76 = tpu.memref_slice %arg4[%add3A_67, %dma_wait3A_75] : memref<16384x256xf32, #tpu.memory_space<hbm>> -> memref<64x256xf32, #tpu.memory_space<hbm>>
    %dma_wait3A_77 = arith.constant 0 : i32
    %dma_wait3A_78 = arith.constant 0 : i32
    %dma_wait3A_79 = tpu.memref_slice %arg6[%dma_wait3A_68, %dma_wait3A_77, %dma_wait3A_78] : memref<4x64x256xf32, #tpu.memory_space<vmem>> -> memref<1x64x256xf32, #tpu.memory_space<vmem>>
    %dma_wait3A_80 = tpu.memref_squeeze %dma_wait3A_79 : memref<1x64x256xf32, #tpu.memory_space<vmem>> -> memref<64x256xf32, #tpu.memory_space<vmem>>
    tpu.wait_dma2 semaphore(%arg11 : memref<!tpu.dma_semaphore, #tpu.memory_space<semaphore_mem>>) src(%dma_wait3A_80 : memref<64x256xf32, #tpu.memory_space<vmem>>) dst(%dma_wait3A_76 : memref<64x256xf32, #tpu.memory_space<hbm>>)
    %dma_start3A_81 = arith.constant 0 : i32
    %dma_start3A_82 = arith.constant 0 : i32
    %dma_start3A_83 = arith.constant 0 : i32
    %dma_start3A_84 = tpu.memref_slice %arg6[%dma_start3A_81, %dma_start3A_82, %dma_start3A_83] : memref<4x64x256xf32, #tpu.memory_space<vmem>> -> memref<1x64x256xf32, #tpu.memory_space<vmem>>
    %dma_start3A_85 = tpu.memref_squeeze %dma_start3A_84 : memref<1x64x256xf32, #tpu.memory_space<vmem>> -> memref<64x256xf32, #tpu.memory_space<vmem>>
    %dma_start3A_86 = arith.constant 256 : i32
    %dma_start3A_87 = tpu.memref_slice %arg5[%dma_start3A_86] : memref<512xi32, #tpu.memory_space<vmem>> -> memref<64xi32, #tpu.memory_space<vmem>>
    %dma_start3A_88 = arith.constant 0 : i32
    %dma_start3A_89 = arith.constant 0 : i32
    %dma_start3A_90 = tpu.memref_slice %arg2[%dma_start3A_88, %dma_start3A_89] : memref<1024x256xf32, #tpu.memory_space<hbm>> -> memref<1024x256xf32, #tpu.memory_space<hbm>>
    tpu.enqueue_indirect_dma source(%dma_start3A_90 : memref<1024x256xf32, #tpu.memory_space<hbm>>) target(%dma_start3A_85 : memref<64x256xf32, #tpu.memory_space<vmem>>) offsets(%dma_start3A_87 : memref<64xi32, #tpu.memory_space<vmem>>) semaphore(%arg7 : memref<!tpu.dma_semaphore, #tpu.memory_space<semaphore_mem>>)
    %dma_wait3A_91 = arith.constant 1 : i32
    %dma_wait3A_92 = arith.constant 0 : i32
    %dma_wait3A_93 = arith.constant 0 : i32
    %dma_wait3A_94 = tpu.memref_slice %arg6[%dma_wait3A_91, %dma_wait3A_92, %dma_wait3A_93] : memref<4x64x256xf32, #tpu.memory_space<vmem>> -> memref<1x64x256xf32, #tpu.memory_space<vmem>>
    %dma_wait3A_95 = tpu.memref_squeeze %dma_wait3A_94 : memref<1x64x256xf32, #tpu.memory_space<vmem>> -> memref<64x256xf32, #tpu.memory_space<vmem>>
    %dma_wait3A_96 = arith.constant 64 : i32
    %dma_wait3A_97 = tpu.memref_slice %arg5[%dma_wait3A_96] : memref<512xi32, #tpu.memory_space<vmem>> -> memref<64xi32, #tpu.memory_space<vmem>>
    %dma_wait3A_98 = arith.constant 0 : i32
    %dma_wait3A_99 = arith.constant 0 : i32
    %dma_wait3A_100 = tpu.memref_slice %arg2[%dma_wait3A_98, %dma_wait3A_99] : memref<1024x256xf32, #tpu.memory_space<hbm>> -> memref<1024x256xf32, #tpu.memory_space<hbm>>
    tpu.wait_indirect_dma semaphore(%arg8 : memref<!tpu.dma_semaphore, #tpu.memory_space<semaphore_mem>>) src(%dma_wait3A_100 : memref<1024x256xf32, #tpu.memory_space<hbm>>) dst(%dma_wait3A_95 : memref<64x256xf32, #tpu.memory_space<vmem>>)
    %add3A_101 = arith.constant 64 : i32
    %add3A_102 = arith.addi %mul3A_2, %add3A_101 : i32
    %dma_start3A_103 = arith.constant 1 : i32
    %dma_start3A_104 = arith.constant 0 : i32
    %dma_start3A_105 = arith.constant 0 : i32
    %dma_start3A_106 = tpu.memref_slice %arg6[%dma_start3A_103, %dma_start3A_104, %dma_start3A_105] : memref<4x64x256xf32, #tpu.memory_space<vmem>> -> memref<1x64x256xf32, #tpu.memory_space<vmem>>
    %dma_start3A_107 = tpu.memref_squeeze %dma_start3A_106 : memref<1x64x256xf32, #tpu.memory_space<vmem>> -> memref<64x256xf32, #tpu.memory_space<vmem>>
    %dma_start3A_108 = arith.constant 0 : i32
    %dma_start3A_109 = tpu.memref_slice %arg4[%add3A_102, %dma_start3A_108] : memref<16384x256xf32, #tpu.memory_space<hbm>> -> memref<64x256xf32, #tpu.memory_space<hbm>>
    %dma_start3A_110 = arith.constant 0 : i32
    %dma_start3A_111 = tpu.memref_slice %arg4[%add3A_102, %dma_start3A_110] : memref<16384x256xf32, #tpu.memory_space<hbm>> -> memref<64x256xf32, #tpu.memory_space<hbm>>
    %dma_start3A_112 = arith.constant 0 : i32
    %dma_start3A_113 = arith.constant 0 : i32
    %dma_start3A_114 = tpu.memref_slice %arg6[%dma_start3A_103, %dma_start3A_112, %dma_start3A_113] : memref<4x64x256xf32, #tpu.memory_space<vmem>> -> memref<1x64x256xf32, #tpu.memory_space<vmem>>
    %dma_start3A_115 = tpu.memref_squeeze %dma_start3A_114 : memref<1x64x256xf32, #tpu.memory_space<vmem>> -> memref<64x256xf32, #tpu.memory_space<vmem>>
    tpu.enqueue_dma source(%dma_start3A_115 : memref<64x256xf32, #tpu.memory_space<vmem>>) target(%dma_start3A_111 : memref<64x256xf32, #tpu.memory_space<hbm>>) target_semaphore(%arg12 : memref<!tpu.dma_semaphore, #tpu.memory_space<semaphore_mem>>)
    %add3A_116 = arith.constant 64 : i32
    %add3A_117 = arith.addi %mul3A_2, %add3A_116 : i32
    %dma_wait3A_118 = arith.constant 1 : i32
    %dma_wait3A_119 = arith.constant 0 : i32
    %dma_wait3A_120 = arith.constant 0 : i32
    %dma_wait3A_121 = tpu.memref_slice %arg6[%dma_wait3A_118, %dma_wait3A_119, %dma_wait3A_120] : memref<4x64x256xf32, #tpu.memory_space<vmem>> -> memref<1x64x256xf32, #tpu.memory_space<vmem>>
    %dma_wait3A_122 = tpu.memref_squeeze %dma_wait3A_121 : memref<1x64x256xf32, #tpu.memory_space<vmem>> -> memref<64x256xf32, #tpu.memory_space<vmem>>
    %dma_wait3A_123 = arith.constant 0 : i32
    %dma_wait3A_124 = tpu.memref_slice %arg4[%add3A_117, %dma_wait3A_123] : memref<16384x256xf32, #tpu.memory_space<hbm>> -> memref<64x256xf32, #tpu.memory_space<hbm>>
    %dma_wait3A_125 = arith.constant 0 : i32
    %dma_wait3A_126 = tpu.memref_slice %arg4[%add3A_117, %dma_wait3A_125] : memref<16384x256xf32, #tpu.memory_space<hbm>> -> memref<64x256xf32, #tpu.memory_space<hbm>>
    %dma_wait3A_127 = arith.constant 0 : i32
    %dma_wait3A_128 = arith.constant 0 : i32
    %dma_wait3A_129 = tpu.memref_slice %arg6[%dma_wait3A_118, %dma_wait3A_127, %dma_wait3A_128] : memref<4x64x256xf32, #tpu.memory_space<vmem>> -> memref<1x64x256xf32, #tpu.memory_space<vmem>>
    %dma_wait3A_130 = tpu.memref_squeeze %dma_wait3A_129 : memref<1x64x256xf32, #tpu.memory_space<vmem>> -> memref<64x256xf32, #tpu.memory_space<vmem>>
    tpu.wait_dma2 semaphore(%arg12 : memref<!tpu.dma_semaphore, #tpu.memory_space<semaphore_mem>>) src(%dma_wait3A_130 : memref<64x256xf32, #tpu.memory_space<vmem>>) dst(%dma_wait3A_126 : memref<64x256xf32, #tpu.memory_space<hbm>>)
    %dma_start3A_131 = arith.constant 1 : i32
    %dma_start3A_132 = arith.constant 0 : i32
    %dma_start3A_133 = arith.constant 0 : i32
    %dma_start3A_134 = tpu.memref_slice %arg6[%dma_start3A_131, %dma_start3A_132, %dma_start3A_133] : memref<4x64x256xf32, #tpu.memory_space<vmem>> -> memref<1x64x256xf32, #tpu.memory_space<vmem>>
    %dma_start3A_135 = tpu.memref_squeeze %dma_start3A_134 : memref<1x64x256xf32, #tpu.memory_space<vmem>> -> memref<64x256xf32, #tpu.memory_space<vmem>>
    %dma_start3A_136 = arith.constant 320 : i32
    %dma_start3A_137 = tpu.memref_slice %arg5[%dma_start3A_136] : memref<512xi32, #tpu.memory_space<vmem>> -> memref<64xi32, #tpu.memory_space<vmem>>
    %dma_start3A_138 = arith.constant 0 : i32
    %dma_start3A_139 = arith.constant 0 : i32
    %dma_start3A_140 = tpu.memref_slice %arg2[%dma_start3A_138, %dma_start3A_139] : memref<1024x256xf32, #tpu.memory_space<hbm>> -> memref<1024x256xf32, #tpu.memory_space<hbm>>
    tpu.enqueue_indirect_dma source(%dma_start3A_140 : memref<1024x256xf32, #tpu.memory_space<hbm>>) target(%dma_start3A_135 : memref<64x256xf32, #tpu.memory_space<vmem>>) offsets(%dma_start3A_137 : memref<64xi32, #tpu.memory_space<vmem>>) semaphore(%arg8 : memref<!tpu.dma_semaphore, #tpu.memory_space<semaphore_mem>>)
    %dma_wait3A_141 = arith.constant 2 : i32
    %dma_wait3A_142 = arith.constant 0 : i32
    %dma_wait3A_143 = arith.constant 0 : i32
    %dma_wait3A_144 = tpu.memref_slice %arg6[%dma_wait3A_141, %dma_wait3A_142, %dma_wait3A_143] : memref<4x64x256xf32, #tpu.memory_space<vmem>> -> memref<1x64x256xf32, #tpu.memory_space<vmem>>
    %dma_wait3A_145 = tpu.memref_squeeze %dma_wait3A_144 : memref<1x64x256xf32, #tpu.memory_space<vmem>> -> memref<64x256xf32, #tpu.memory_space<vmem>>
    %dma_wait3A_146 = arith.constant 128 : i32
    %dma_wait3A_147 = tpu.memref_slice %arg5[%dma_wait3A_146] : memref<512xi32, #tpu.memory_space<vmem>> -> memref<64xi32, #tpu.memory_space<vmem>>
    %dma_wait3A_148 = arith.constant 0 : i32
    %dma_wait3A_149 = arith.constant 0 : i32
    %dma_wait3A_150 = tpu.memref_slice %arg2[%dma_wait3A_148, %dma_wait3A_149] : memref<1024x256xf32, #tpu.memory_space<hbm>> -> memref<1024x256xf32, #tpu.memory_space<hbm>>
    tpu.wait_indirect_dma semaphore(%arg9 : memref<!tpu.dma_semaphore, #tpu.memory_space<semaphore_mem>>) src(%dma_wait3A_150 : memref<1024x256xf32, #tpu.memory_space<hbm>>) dst(%dma_wait3A_145 : memref<64x256xf32, #tpu.memory_space<vmem>>)
    %add3A_151 = arith.constant 128 : i32
    %add3A_152 = arith.addi %mul3A_2, %add3A_151 : i32
    %dma_start3A_153 = arith.constant 2 : i32
    %dma_start3A_154 = arith.constant 0 : i32
    %dma_start3A_155 = arith.constant 0 : i32
    %dma_start3A_156 = tpu.memref_slice %arg6[%dma_start3A_153, %dma_start3A_154, %dma_start3A_155] : memref<4x64x256xf32, #tpu.memory_space<vmem>> -> memref<1x64x256xf32, #tpu.memory_space<vmem>>
    %dma_start3A_157 = tpu.memref_squeeze %dma_start3A_156 : memref<1x64x256xf32, #tpu.memory_space<vmem>> -> memref<64x256xf32, #tpu.memory_space<vmem>>
    %dma_start3A_158 = arith.constant 0 : i32
    %dma_start3A_159 = tpu.memref_slice %arg4[%add3A_152, %dma_start3A_158] : memref<16384x256xf32, #tpu.memory_space<hbm>> -> memref<64x256xf32, #tpu.memory_space<hbm>>
    %dma_start3A_160 = arith.constant 0 : i32
    %dma_start3A_161 = tpu.memref_slice %arg4[%add3A_152, %dma_start3A_160] : memref<16384x256xf32, #tpu.memory_space<hbm>> -> memref<64x256xf32, #tpu.memory_space<hbm>>
    %dma_start3A_162 = arith.constant 0 : i32
    %dma_start3A_163 = arith.constant 0 : i32
    %dma_start3A_164 = tpu.memref_slice %arg6[%dma_start3A_153, %dma_start3A_162, %dma_start3A_163] : memref<4x64x256xf32, #tpu.memory_space<vmem>> -> memref<1x64x256xf32, #tpu.memory_space<vmem>>
    %dma_start3A_165 = tpu.memref_squeeze %dma_start3A_164 : memref<1x64x256xf32, #tpu.memory_space<vmem>> -> memref<64x256xf32, #tpu.memory_space<vmem>>
    tpu.enqueue_dma source(%dma_start3A_165 : memref<64x256xf32, #tpu.memory_space<vmem>>) target(%dma_start3A_161 : memref<64x256xf32, #tpu.memory_space<hbm>>) target_semaphore(%arg13 : memref<!tpu.dma_semaphore, #tpu.memory_space<semaphore_mem>>)
    %add3A_166 = arith.constant 128 : i32
    %add3A_167 = arith.addi %mul3A_2, %add3A_166 : i32
    %dma_wait3A_168 = arith.constant 2 : i32
    %dma_wait3A_169 = arith.constant 0 : i32
    %dma_wait3A_170 = arith.constant 0 : i32
    %dma_wait3A_171 = tpu.memref_slice %arg6[%dma_wait3A_168, %dma_wait3A_169, %dma_wait3A_170] : memref<4x64x256xf32, #tpu.memory_space<vmem>> -> memref<1x64x256xf32, #tpu.memory_space<vmem>>
    %dma_wait3A_172 = tpu.memref_squeeze %dma_wait3A_171 : memref<1x64x256xf32, #tpu.memory_space<vmem>> -> memref<64x256xf32, #tpu.memory_space<vmem>>
    %dma_wait3A_173 = arith.constant 0 : i32
    %dma_wait3A_174 = tpu.memref_slice %arg4[%add3A_167, %dma_wait3A_173] : memref<16384x256xf32, #tpu.memory_space<hbm>> -> memref<64x256xf32, #tpu.memory_space<hbm>>
    %dma_wait3A_175 = arith.constant 0 : i32
    %dma_wait3A_176 = tpu.memref_slice %arg4[%add3A_167, %dma_wait3A_175] : memref<16384x256xf32, #tpu.memory_space<hbm>> -> memref<64x256xf32, #tpu.memory_space<hbm>>
    %dma_wait3A_177 = arith.constant 0 : i32
    %dma_wait3A_178 = arith.constant 0 : i32
    %dma_wait3A_179 = tpu.memref_slice %arg6[%dma_wait3A_168, %dma_wait3A_177, %dma_wait3A_178] : memref<4x64x256xf32, #tpu.memory_space<vmem>> -> memref<1x64x256xf32, #tpu.memory_space<vmem>>
    %dma_wait3A_180 = tpu.memref_squeeze %dma_wait3A_179 : memref<1x64x256xf32, #tpu.memory_space<vmem>> -> memref<64x256xf32, #tpu.memory_space<vmem>>
    tpu.wait_dma2 semaphore(%arg13 : memref<!tpu.dma_semaphore, #tpu.memory_space<semaphore_mem>>) src(%dma_wait3A_180 : memref<64x256xf32, #tpu.memory_space<vmem>>) dst(%dma_wait3A_176 : memref<64x256xf32, #tpu.memory_space<hbm>>)
    %dma_start3A_181 = arith.constant 2 : i32
    %dma_start3A_182 = arith.constant 0 : i32
    %dma_start3A_183 = arith.constant 0 : i32
    %dma_start3A_184 = tpu.memref_slice %arg6[%dma_start3A_181, %dma_start3A_182, %dma_start3A_183] : memref<4x64x256xf32, #tpu.memory_space<vmem>> -> memref<1x64x256xf32, #tpu.memory_space<vmem>>
    %dma_start3A_185 = tpu.memref_squeeze %dma_start3A_184 : memref<1x64x256xf32, #tpu.memory_space<vmem>> -> memref<64x256xf32, #tpu.memory_space<vmem>>
    %dma_start3A_186 = arith.constant 384 : i32
    %dma_start3A_187 = tpu.memref_slice %arg5[%dma_start3A_186] : memref<512xi32, #tpu.memory_space<vmem>> -> memref<64xi32, #tpu.memory_space<vmem>>
    %dma_start3A_188 = arith.constant 0 : i32
    %dma_start3A_189 = arith.constant 0 : i32
    %dma_start3A_190 = tpu.memref_slice %arg2[%dma_start3A_188, %dma_start3A_189] : memref<1024x256xf32, #tpu.memory_space<hbm>> -> memref<1024x256xf32, #tpu.memory_space<hbm>>
    tpu.enqueue_indirect_dma source(%dma_start3A_190 : memref<1024x256xf32, #tpu.memory_space<hbm>>) target(%dma_start3A_185 : memref<64x256xf32, #tpu.memory_space<vmem>>) offsets(%dma_start3A_187 : memref<64xi32, #tpu.memory_space<vmem>>) semaphore(%arg9 : memref<!tpu.dma_semaphore, #tpu.memory_space<semaphore_mem>>)
    %dma_wait3A_191 = arith.constant 3 : i32
    %dma_wait3A_192 = arith.constant 0 : i32
    %dma_wait3A_193 = arith.constant 0 : i32
    %dma_wait3A_194 = tpu.memref_slice %arg6[%dma_wait3A_191, %dma_wait3A_192, %dma_wait3A_193] : memref<4x64x256xf32, #tpu.memory_space<vmem>> -> memref<1x64x256xf32, #tpu.memory_space<vmem>>
    %dma_wait3A_195 = tpu.memref_squeeze %dma_wait3A_194 : memref<1x64x256xf32, #tpu.memory_space<vmem>> -> memref<64x256xf32, #tpu.memory_space<vmem>>
    %dma_wait3A_196 = arith.constant 192 : i32
    %dma_wait3A_197 = tpu.memref_slice %arg5[%dma_wait3A_196] : memref<512xi32, #tpu.memory_space<vmem>> -> memref<64xi32, #tpu.memory_space<vmem>>
    %dma_wait3A_198 = arith.constant 0 : i32
    %dma_wait3A_199 = arith.constant 0 : i32
    %dma_wait3A_200 = tpu.memref_slice %arg2[%dma_wait3A_198, %dma_wait3A_199] : memref<1024x256xf32, #tpu.memory_space<hbm>> -> memref<1024x256xf32, #tpu.memory_space<hbm>>
    tpu.wait_indirect_dma semaphore(%arg10 : memref<!tpu.dma_semaphore, #tpu.memory_space<semaphore_mem>>) src(%dma_wait3A_200 : memref<1024x256xf32, #tpu.memory_space<hbm>>) dst(%dma_wait3A_195 : memref<64x256xf32, #tpu.memory_space<vmem>>)
    %add3A_201 = arith.constant 192 : i32
    %add3A_202 = arith.addi %mul3A_2, %add3A_201 : i32
    %dma_start3A_203 = arith.constant 3 : i32
    %dma_start3A_204 = arith.constant 0 : i32
    %dma_start3A_205 = arith.constant 0 : i32
    %dma_start3A_206 = tpu.memref_slice %arg6[%dma_start3A_203, %dma_start3A_204, %dma_start3A_205] : memref<4x64x256xf32, #tpu.memory_space<vmem>> -> memref<1x64x256xf32, #tpu.memory_space<vmem>>
    %dma_start3A_207 = tpu.memref_squeeze %dma_start3A_206 : memref<1x64x256xf32, #tpu.memory_space<vmem>> -> memref<64x256xf32, #tpu.memory_space<vmem>>
    %dma_start3A_208 = arith.constant 0 : i32
    %dma_start3A_209 = tpu.memref_slice %arg4[%add3A_202, %dma_start3A_208] : memref<16384x256xf32, #tpu.memory_space<hbm>> -> memref<64x256xf32, #tpu.memory_space<hbm>>
    %dma_start3A_210 = arith.constant 0 : i32
    %dma_start3A_211 = tpu.memref_slice %arg4[%add3A_202, %dma_start3A_210] : memref<16384x256xf32, #tpu.memory_space<hbm>> -> memref<64x256xf32, #tpu.memory_space<hbm>>
    %dma_start3A_212 = arith.constant 0 : i32
    %dma_start3A_213 = arith.constant 0 : i32
    %dma_start3A_214 = tpu.memref_slice %arg6[%dma_start3A_203, %dma_start3A_212, %dma_start3A_213] : memref<4x64x256xf32, #tpu.memory_space<vmem>> -> memref<1x64x256xf32, #tpu.memory_space<vmem>>
    %dma_start3A_215 = tpu.memref_squeeze %dma_start3A_214 : memref<1x64x256xf32, #tpu.memory_space<vmem>> -> memref<64x256xf32, #tpu.memory_space<vmem>>
    tpu.enqueue_dma source(%dma_start3A_215 : memref<64x256xf32, #tpu.memory_space<vmem>>) target(%dma_start3A_211 : memref<64x256xf32, #tpu.memory_space<hbm>>) target_semaphore(%arg14 : memref<!tpu.dma_semaphore, #tpu.memory_space<semaphore_mem>>)
    %add3A_216 = arith.constant 192 : i32
    %add3A_217 = arith.addi %mul3A_2, %add3A_216 : i32
    %dma_wait3A_218 = arith.constant 3 : i32
    %dma_wait3A_219 = arith.constant 0 : i32
    %dma_wait3A_220 = arith.constant 0 : i32
    %dma_wait3A_221 = tpu.memref_slice %arg6[%dma_wait3A_218, %dma_wait3A_219, %dma_wait3A_220] : memref<4x64x256xf32, #tpu.memory_space<vmem>> -> memref<1x64x256xf32, #tpu.memory_space<vmem>>
    %dma_wait3A_222 = tpu.memref_squeeze %dma_wait3A_221 : memref<1x64x256xf32, #tpu.memory_space<vmem>> -> memref<64x256xf32, #tpu.memory_space<vmem>>
    %dma_wait3A_223 = arith.constant 0 : i32
    %dma_wait3A_224 = tpu.memref_slice %arg4[%add3A_217, %dma_wait3A_223] : memref<16384x256xf32, #tpu.memory_space<hbm>> -> memref<64x256xf32, #tpu.memory_space<hbm>>
    %dma_wait3A_225 = arith.constant 0 : i32
    %dma_wait3A_226 = tpu.memref_slice %arg4[%add3A_217, %dma_wait3A_225] : memref<16384x256xf32, #tpu.memory_space<hbm>> -> memref<64x256xf32, #tpu.memory_space<hbm>>
    %dma_wait3A_227 = arith.constant 0 : i32
    %dma_wait3A_228 = arith.constant 0 : i32
    %dma_wait3A_229 = tpu.memref_slice %arg6[%dma_wait3A_218, %dma_wait3A_227, %dma_wait3A_228] : memref<4x64x256xf32, #tpu.memory_space<vmem>> -> memref<1x64x256xf32, #tpu.memory_space<vmem>>
    %dma_wait3A_230 = tpu.memref_squeeze %dma_wait3A_229 : memref<1x64x256xf32, #tpu.memory_space<vmem>> -> memref<64x256xf32, #tpu.memory_space<vmem>>
    tpu.wait_dma2 semaphore(%arg14 : memref<!tpu.dma_semaphore, #tpu.memory_space<semaphore_mem>>) src(%dma_wait3A_230 : memref<64x256xf32, #tpu.memory_space<vmem>>) dst(%dma_wait3A_226 : memref<64x256xf32, #tpu.memory_space<hbm>>)
    %dma_start3A_231 = arith.constant 3 : i32
    %dma_start3A_232 = arith.constant 0 : i32
    %dma_start3A_233 = arith.constant 0 : i32
    %dma_start3A_234 = tpu.memref_slice %arg6[%dma_start3A_231, %dma_start3A_232, %dma_start3A_233] : memref<4x64x256xf32, #tpu.memory_space<vmem>> -> memref<1x64x256xf32, #tpu.memory_space<vmem>>
    %dma_start3A_235 = tpu.memref_squeeze %dma_start3A_234 : memref<1x64x256xf32, #tpu.memory_space<vmem>> -> memref<64x256xf32, #tpu.memory_space<vmem>>
    %dma_start3A_236 = arith.constant 448 : i32
    %dma_start3A_237 = tpu.memref_slice %arg5[%dma_start3A_236] : memref<512xi32, #tpu.memory_space<vmem>> -> memref<64xi32, #tpu.memory_space<vmem>>
    %dma_start3A_238 = arith.constant 0 : i32
    %dma_start3A_239 = arith.constant 0 : i32
    %dma_start3A_240 = tpu.memref_slice %arg2[%dma_start3A_238, %dma_start3A_239] : memref<1024x256xf32, #tpu.memory_space<hbm>> -> memref<1024x256xf32, #tpu.memory_space<hbm>>
    tpu.enqueue_indirect_dma source(%dma_start3A_240 : memref<1024x256xf32, #tpu.memory_space<hbm>>) target(%dma_start3A_235 : memref<64x256xf32, #tpu.memory_space<vmem>>) offsets(%dma_start3A_237 : memref<64xi32, #tpu.memory_space<vmem>>) semaphore(%arg10 : memref<!tpu.dma_semaphore, #tpu.memory_space<semaphore_mem>>)
    %dma_wait3A_241 = arith.constant 0 : i32
    %dma_wait3A_242 = arith.constant 0 : i32
    %dma_wait3A_243 = arith.constant 0 : i32
    %dma_wait3A_244 = tpu.memref_slice %arg6[%dma_wait3A_241, %dma_wait3A_242, %dma_wait3A_243] : memref<4x64x256xf32, #tpu.memory_space<vmem>> -> memref<1x64x256xf32, #tpu.memory_space<vmem>>
    %dma_wait3A_245 = tpu.memref_squeeze %dma_wait3A_244 : memref<1x64x256xf32, #tpu.memory_space<vmem>> -> memref<64x256xf32, #tpu.memory_space<vmem>>
    %dma_wait3A_246 = arith.constant 256 : i32
    %dma_wait3A_247 = tpu.memref_slice %arg5[%dma_wait3A_246] : memref<512xi32, #tpu.memory_space<vmem>> -> memref<64xi32, #tpu.memory_space<vmem>>
    %dma_wait3A_248 = arith.constant 0 : i32
    %dma_wait3A_249 = arith.constant 0 : i32
    %dma_wait3A_250 = tpu.memref_slice %arg2[%dma_wait3A_248, %dma_wait3A_249] : memref<1024x256xf32, #tpu.memory_space<hbm>> -> memref<1024x256xf32, #tpu.memory_space<hbm>>
    tpu.wait_indirect_dma semaphore(%arg7 : memref<!tpu.dma_semaphore, #tpu.memory_space<semaphore_mem>>) src(%dma_wait3A_250 : memref<1024x256xf32, #tpu.memory_space<hbm>>) dst(%dma_wait3A_245 : memref<64x256xf32, #tpu.memory_space<vmem>>)
    %add3A_251 = arith.constant 256 : i32
    %add3A_252 = arith.addi %mul3A_2, %add3A_251 : i32
    %dma_start3A_253 = arith.constant 0 : i32
    %dma_start3A_254 = arith.constant 0 : i32
    %dma_start3A_255 = arith.constant 0 : i32
    %dma_start3A_256 = tpu.memref_slice %arg6[%dma_start3A_253, %dma_start3A_254, %dma_start3A_255] : memref<4x64x256xf32, #tpu.memory_space<vmem>> -> memref<1x64x256xf32, #tpu.memory_space<vmem>>
    %dma_start3A_257 = tpu.memref_squeeze %dma_start3A_256 : memref<1x64x256xf32, #tpu.memory_space<vmem>> -> memref<64x256xf32, #tpu.memory_space<vmem>>
    %dma_start3A_258 = arith.constant 0 : i32
    %dma_start3A_259 = tpu.memref_slice %arg4[%add3A_252, %dma_start3A_258] : memref<16384x256xf32, #tpu.memory_space<hbm>> -> memref<64x256xf32, #tpu.memory_space<hbm>>
    %dma_start3A_260 = arith.constant 0 : i32
    %dma_start3A_261 = tpu.memref_slice %arg4[%add3A_252, %dma_start3A_260] : memref<16384x256xf32, #tpu.memory_space<hbm>> -> memref<64x256xf32, #tpu.memory_space<hbm>>
    %dma_start3A_262 = arith.constant 0 : i32
    %dma_start3A_263 = arith.constant 0 : i32
    %dma_start3A_264 = tpu.memref_slice %arg6[%dma_start3A_253, %dma_start3A_262, %dma_start3A_263] : memref<4x64x256xf32, #tpu.memory_space<vmem>> -> memref<1x64x256xf32, #tpu.memory_space<vmem>>
    %dma_start3A_265 = tpu.memref_squeeze %dma_start3A_264 : memref<1x64x256xf32, #tpu.memory_space<vmem>> -> memref<64x256xf32, #tpu.memory_space<vmem>>
    tpu.enqueue_dma source(%dma_start3A_265 : memref<64x256xf32, #tpu.memory_space<vmem>>) target(%dma_start3A_261 : memref<64x256xf32, #tpu.memory_space<hbm>>) target_semaphore(%arg11 : memref<!tpu.dma_semaphore, #tpu.memory_space<semaphore_mem>>)
    %dma_wait3A_266 = arith.constant 1 : i32
    %dma_wait3A_267 = arith.constant 0 : i32
    %dma_wait3A_268 = arith.constant 0 : i32
    %dma_wait3A_269 = tpu.memref_slice %arg6[%dma_wait3A_266, %dma_wait3A_267, %dma_wait3A_268] : memref<4x64x256xf32, #tpu.memory_space<vmem>> -> memref<1x64x256xf32, #tpu.memory_space<vmem>>
    %dma_wait3A_270 = tpu.memref_squeeze %dma_wait3A_269 : memref<1x64x256xf32, #tpu.memory_space<vmem>> -> memref<64x256xf32, #tpu.memory_space<vmem>>
    %dma_wait3A_271 = arith.constant 320 : i32
    %dma_wait3A_272 = tpu.memref_slice %arg5[%dma_wait3A_271] : memref<512xi32, #tpu.memory_space<vmem>> -> memref<64xi32, #tpu.memory_space<vmem>>
    %dma_wait3A_273 = arith.constant 0 : i32
    %dma_wait3A_274 = arith.constant 0 : i32
    %dma_wait3A_275 = tpu.memref_slice %arg2[%dma_wait3A_273, %dma_wait3A_274] : memref<1024x256xf32, #tpu.memory_space<hbm>> -> memref<1024x256xf32, #tpu.memory_space<hbm>>
    tpu.wait_indirect_dma semaphore(%arg8 : memref<!tpu.dma_semaphore, #tpu.memory_space<semaphore_mem>>) src(%dma_wait3A_275 : memref<1024x256xf32, #tpu.memory_space<hbm>>) dst(%dma_wait3A_270 : memref<64x256xf32, #tpu.memory_space<vmem>>)
    %add3A_276 = arith.constant 320 : i32
    %add3A_277 = arith.addi %mul3A_2, %add3A_276 : i32
    %dma_start3A_278 = arith.constant 1 : i32
    %dma_start3A_279 = arith.constant 0 : i32
    %dma_start3A_280 = arith.constant 0 : i32
    %dma_start3A_281 = tpu.memref_slice %arg6[%dma_start3A_278, %dma_start3A_279, %dma_start3A_280] : memref<4x64x256xf32, #tpu.memory_space<vmem>> -> memref<1x64x256xf32, #tpu.memory_space<vmem>>
    %dma_start3A_282 = tpu.memref_squeeze %dma_start3A_281 : memref<1x64x256xf32, #tpu.memory_space<vmem>> -> memref<64x256xf32, #tpu.memory_space<vmem>>
    %dma_start3A_283 = arith.constant 0 : i32
    %dma_start3A_284 = tpu.memref_slice %arg4[%add3A_277, %dma_start3A_283] : memref<16384x256xf32, #tpu.memory_space<hbm>> -> memref<64x256xf32, #tpu.memory_space<hbm>>
    %dma_start3A_285 = arith.constant 0 : i32
    %dma_start3A_286 = tpu.memref_slice %arg4[%add3A_277, %dma_start3A_285] : memref<16384x256xf32, #tpu.memory_space<hbm>> -> memref<64x256xf32, #tpu.memory_space<hbm>>
    %dma_start3A_287 = arith.constant 0 : i32
    %dma_start3A_288 = arith.constant 0 : i32
    %dma_start3A_289 = tpu.memref_slice %arg6[%dma_start3A_278, %dma_start3A_287, %dma_start3A_288] : memref<4x64x256xf32, #tpu.memory_space<vmem>> -> memref<1x64x256xf32, #tpu.memory_space<vmem>>
    %dma_start3A_290 = tpu.memref_squeeze %dma_start3A_289 : memref<1x64x256xf32, #tpu.memory_space<vmem>> -> memref<64x256xf32, #tpu.memory_space<vmem>>
    tpu.enqueue_dma source(%dma_start3A_290 : memref<64x256xf32, #tpu.memory_space<vmem>>) target(%dma_start3A_286 : memref<64x256xf32, #tpu.memory_space<hbm>>) target_semaphore(%arg12 : memref<!tpu.dma_semaphore, #tpu.memory_space<semaphore_mem>>)
    %dma_wait3A_291 = arith.constant 2 : i32
    %dma_wait3A_292 = arith.constant 0 : i32
    %dma_wait3A_293 = arith.constant 0 : i32
    %dma_wait3A_294 = tpu.memref_slice %arg6[%dma_wait3A_291, %dma_wait3A_292, %dma_wait3A_293] : memref<4x64x256xf32, #tpu.memory_space<vmem>> -> memref<1x64x256xf32, #tpu.memory_space<vmem>>
    %dma_wait3A_295 = tpu.memref_squeeze %dma_wait3A_294 : memref<1x64x256xf32, #tpu.memory_space<vmem>> -> memref<64x256xf32, #tpu.memory_space<vmem>>
    %dma_wait3A_296 = arith.constant 384 : i32
    %dma_wait3A_297 = tpu.memref_slice %arg5[%dma_wait3A_296] : memref<512xi32, #tpu.memory_space<vmem>> -> memref<64xi32, #tpu.memory_space<vmem>>
    %dma_wait3A_298 = arith.constant 0 : i32
    %dma_wait3A_299 = arith.constant 0 : i32
    %dma_wait3A_300 = tpu.memref_slice %arg2[%dma_wait3A_298, %dma_wait3A_299] : memref<1024x256xf32, #tpu.memory_space<hbm>> -> memref<1024x256xf32, #tpu.memory_space<hbm>>
    tpu.wait_indirect_dma semaphore(%arg9 : memref<!tpu.dma_semaphore, #tpu.memory_space<semaphore_mem>>) src(%dma_wait3A_300 : memref<1024x256xf32, #tpu.memory_space<hbm>>) dst(%dma_wait3A_295 : memref<64x256xf32, #tpu.memory_space<vmem>>)
    %add3A_301 = arith.constant 384 : i32
    %add3A_302 = arith.addi %mul3A_2, %add3A_301 : i32
    %dma_start3A_303 = arith.constant 2 : i32
    %dma_start3A_304 = arith.constant 0 : i32
    %dma_start3A_305 = arith.constant 0 : i32
    %dma_start3A_306 = tpu.memref_slice %arg6[%dma_start3A_303, %dma_start3A_304, %dma_start3A_305] : memref<4x64x256xf32, #tpu.memory_space<vmem>> -> memref<1x64x256xf32, #tpu.memory_space<vmem>>
    %dma_start3A_307 = tpu.memref_squeeze %dma_start3A_306 : memref<1x64x256xf32, #tpu.memory_space<vmem>> -> memref<64x256xf32, #tpu.memory_space<vmem>>
    %dma_start3A_308 = arith.constant 0 : i32
    %dma_start3A_309 = tpu.memref_slice %arg4[%add3A_302, %dma_start3A_308] : memref<16384x256xf32, #tpu.memory_space<hbm>> -> memref<64x256xf32, #tpu.memory_space<hbm>>
    %dma_start3A_310 = arith.constant 0 : i32
    %dma_start3A_311 = tpu.memref_slice %arg4[%add3A_302, %dma_start3A_310] : memref<16384x256xf32, #tpu.memory_space<hbm>> -> memref<64x256xf32, #tpu.memory_space<hbm>>
    %dma_start3A_312 = arith.constant 0 : i32
    %dma_start3A_313 = arith.constant 0 : i32
    %dma_start3A_314 = tpu.memref_slice %arg6[%dma_start3A_303, %dma_start3A_312, %dma_start3A_313] : memref<4x64x256xf32, #tpu.memory_space<vmem>> -> memref<1x64x256xf32, #tpu.memory_space<vmem>>
    %dma_start3A_315 = tpu.memref_squeeze %dma_start3A_314 : memref<1x64x256xf32, #tpu.memory_space<vmem>> -> memref<64x256xf32, #tpu.memory_space<vmem>>
    tpu.enqueue_dma source(%dma_start3A_315 : memref<64x256xf32, #tpu.memory_space<vmem>>) target(%dma_start3A_311 : memref<64x256xf32, #tpu.memory_space<hbm>>) target_semaphore(%arg13 : memref<!tpu.dma_semaphore, #tpu.memory_space<semaphore_mem>>)
    %dma_wait3A_316 = arith.constant 3 : i32
    %dma_wait3A_317 = arith.constant 0 : i32
    %dma_wait3A_318 = arith.constant 0 : i32
    %dma_wait3A_319 = tpu.memref_slice %arg6[%dma_wait3A_316, %dma_wait3A_317, %dma_wait3A_318] : memref<4x64x256xf32, #tpu.memory_space<vmem>> -> memref<1x64x256xf32, #tpu.memory_space<vmem>>
    %dma_wait3A_320 = tpu.memref_squeeze %dma_wait3A_319 : memref<1x64x256xf32, #tpu.memory_space<vmem>> -> memref<64x256xf32, #tpu.memory_space<vmem>>
    %dma_wait3A_321 = arith.constant 448 : i32
    %dma_wait3A_322 = tpu.memref_slice %arg5[%dma_wait3A_321] : memref<512xi32, #tpu.memory_space<vmem>> -> memref<64xi32, #tpu.memory_space<vmem>>
    %dma_wait3A_323 = arith.constant 0 : i32
    %dma_wait3A_324 = arith.constant 0 : i32
    %dma_wait3A_325 = tpu.memref_slice %arg2[%dma_wait3A_323, %dma_wait3A_324] : memref<1024x256xf32, #tpu.memory_space<hbm>> -> memref<1024x256xf32, #tpu.memory_space<hbm>>
    tpu.wait_indirect_dma semaphore(%arg10 : memref<!tpu.dma_semaphore, #tpu.memory_space<semaphore_mem>>) src(%dma_wait3A_325 : memref<1024x256xf32, #tpu.memory_space<hbm>>) dst(%dma_wait3A_320 : memref<64x256xf32, #tpu.memory_space<vmem>>)
    %add3A_326 = arith.constant 448 : i32
    %add3A_327 = arith.addi %mul3A_2, %add3A_326 : i32
    %dma_start3A_328 = arith.constant 3 : i32
    %dma_start3A_329 = arith.constant 0 : i32
    %dma_start3A_330 = arith.constant 0 : i32
    %dma_start3A_331 = tpu.memref_slice %arg6[%dma_start3A_328, %dma_start3A_329, %dma_start3A_330] : memref<4x64x256xf32, #tpu.memory_space<vmem>> -> memref<1x64x256xf32, #tpu.memory_space<vmem>>
    %dma_start3A_332 = tpu.memref_squeeze %dma_start3A_331 : memref<1x64x256xf32, #tpu.memory_space<vmem>> -> memref<64x256xf32, #tpu.memory_space<vmem>>
    %dma_start3A_333 = arith.constant 0 : i32
    %dma_start3A_334 = tpu.memref_slice %arg4[%add3A_327, %dma_start3A_333] : memref<16384x256xf32, #tpu.memory_space<hbm>> -> memref<64x256xf32, #tpu.memory_space<hbm>>
    %dma_start3A_335 = arith.constant 0 : i32
    %dma_start3A_336 = tpu.memref_slice %arg4[%add3A_327, %dma_start3A_335] : memref<16384x256xf32, #tpu.memory_space<hbm>> -> memref<64x256xf32, #tpu.memory_space<hbm>>
    %dma_start3A_337 = arith.constant 0 : i32
    %dma_start3A_338 = arith.constant 0 : i32
    %dma_start3A_339 = tpu.memref_slice %arg6[%dma_start3A_328, %dma_start3A_337, %dma_start3A_338] : memref<4x64x256xf32, #tpu.memory_space<vmem>> -> memref<1x64x256xf32, #tpu.memory_space<vmem>>
    %dma_start3A_340 = tpu.memref_squeeze %dma_start3A_339 : memref<1x64x256xf32, #tpu.memory_space<vmem>> -> memref<64x256xf32, #tpu.memory_space<vmem>>
    tpu.enqueue_dma source(%dma_start3A_340 : memref<64x256xf32, #tpu.memory_space<vmem>>) target(%dma_start3A_336 : memref<64x256xf32, #tpu.memory_space<hbm>>) target_semaphore(%arg14 : memref<!tpu.dma_semaphore, #tpu.memory_space<semaphore_mem>>)
    %add3A_341 = arith.constant 256 : i32
    %add3A_342 = arith.addi %mul3A_2, %add3A_341 : i32
    %dma_wait3A_343 = arith.constant 0 : i32
    %dma_wait3A_344 = arith.constant 0 : i32
    %dma_wait3A_345 = arith.constant 0 : i32
    %dma_wait3A_346 = tpu.memref_slice %arg6[%dma_wait3A_343, %dma_wait3A_344, %dma_wait3A_345] : memref<4x64x256xf32, #tpu.memory_space<vmem>> -> memref<1x64x256xf32, #tpu.memory_space<vmem>>
    %dma_wait3A_347 = tpu.memref_squeeze %dma_wait3A_346 : memref<1x64x256xf32, #tpu.memory_space<vmem>> -> memref<64x256xf32, #tpu.memory_space<vmem>>
    %dma_wait3A_348 = arith.constant 0 : i32
    %dma_wait3A_349 = tpu.memref_slice %arg4[%add3A_342, %dma_wait3A_348] : memref<16384x256xf32, #tpu.memory_space<hbm>> -> memref<64x256xf32, #tpu.memory_space<hbm>>
    %dma_wait3A_350 = arith.constant 0 : i32
    %dma_wait3A_351 = tpu.memref_slice %arg4[%add3A_342, %dma_wait3A_350] : memref<16384x256xf32, #tpu.memory_space<hbm>> -> memref<64x256xf32, #tpu.memory_space<hbm>>
    %dma_wait3A_352 = arith.constant 0 : i32
    %dma_wait3A_353 = arith.constant 0 : i32
    %dma_wait3A_354 = tpu.memref_slice %arg6[%dma_wait3A_343, %dma_wait3A_352, %dma_wait3A_353] : memref<4x64x256xf32, #tpu.memory_space<vmem>> -> memref<1x64x256xf32, #tpu.memory_space<vmem>>
    %dma_wait3A_355 = tpu.memref_squeeze %dma_wait3A_354 : memref<1x64x256xf32, #tpu.memory_space<vmem>> -> memref<64x256xf32, #tpu.memory_space<vmem>>
    tpu.wait_dma2 semaphore(%arg11 : memref<!tpu.dma_semaphore, #tpu.memory_space<semaphore_mem>>) src(%dma_wait3A_355 : memref<64x256xf32, #tpu.memory_space<vmem>>) dst(%dma_wait3A_351 : memref<64x256xf32, #tpu.memory_space<hbm>>)
    %add3A_356 = arith.constant 320 : i32
    %add3A_357 = arith.addi %mul3A_2, %add3A_356 : i32
    %dma_wait3A_358 = arith.constant 1 : i32
    %dma_wait3A_359 = arith.constant 0 : i32
    %dma_wait3A_360 = arith.constant 0 : i32
    %dma_wait3A_361 = tpu.memref_slice %arg6[%dma_wait3A_358, %dma_wait3A_359, %dma_wait3A_360] : memref<4x64x256xf32, #tpu.memory_space<vmem>> -> memref<1x64x256xf32, #tpu.memory_space<vmem>>
    %dma_wait3A_362 = tpu.memref_squeeze %dma_wait3A_361 : memref<1x64x256xf32, #tpu.memory_space<vmem>> -> memref<64x256xf32, #tpu.memory_space<vmem>>
    %dma_wait3A_363 = arith.constant 0 : i32
    %dma_wait3A_364 = tpu.memref_slice %arg4[%add3A_357, %dma_wait3A_363] : memref<16384x256xf32, #tpu.memory_space<hbm>> -> memref<64x256xf32, #tpu.memory_space<hbm>>
    %dma_wait3A_365 = arith.constant 0 : i32
    %dma_wait3A_366 = tpu.memref_slice %arg4[%add3A_357, %dma_wait3A_365] : memref<16384x256xf32, #tpu.memory_space<hbm>> -> memref<64x256xf32, #tpu.memory_space<hbm>>
    %dma_wait3A_367 = arith.constant 0 : i32
    %dma_wait3A_368 = arith.constant 0 : i32
    %dma_wait3A_369 = tpu.memref_slice %arg6[%dma_wait3A_358, %dma_wait3A_367, %dma_wait3A_368] : memref<4x64x256xf32, #tpu.memory_space<vmem>> -> memref<1x64x256xf32, #tpu.memory_space<vmem>>
    %dma_wait3A_370 = tpu.memref_squeeze %dma_wait3A_369 : memref<1x64x256xf32, #tpu.memory_space<vmem>> -> memref<64x256xf32, #tpu.memory_space<vmem>>
    tpu.wait_dma2 semaphore(%arg12 : memref<!tpu.dma_semaphore, #tpu.memory_space<semaphore_mem>>) src(%dma_wait3A_370 : memref<64x256xf32, #tpu.memory_space<vmem>>) dst(%dma_wait3A_366 : memref<64x256xf32, #tpu.memory_space<hbm>>)
    %add3A_371 = arith.constant 384 : i32
    %add3A_372 = arith.addi %mul3A_2, %add3A_371 : i32
    %dma_wait3A_373 = arith.constant 2 : i32
    %dma_wait3A_374 = arith.constant 0 : i32
    %dma_wait3A_375 = arith.constant 0 : i32
    %dma_wait3A_376 = tpu.memref_slice %arg6[%dma_wait3A_373, %dma_wait3A_374, %dma_wait3A_375] : memref<4x64x256xf32, #tpu.memory_space<vmem>> -> memref<1x64x256xf32, #tpu.memory_space<vmem>>
    %dma_wait3A_377 = tpu.memref_squeeze %dma_wait3A_376 : memref<1x64x256xf32, #tpu.memory_space<vmem>> -> memref<64x256xf32, #tpu.memory_space<vmem>>
    %dma_wait3A_378 = arith.constant 0 : i32
    %dma_wait3A_379 = tpu.memref_slice %arg4[%add3A_372, %dma_wait3A_378] : memref<16384x256xf32, #tpu.memory_space<hbm>> -> memref<64x256xf32, #tpu.memory_space<hbm>>
    %dma_wait3A_380 = arith.constant 0 : i32
    %dma_wait3A_381 = tpu.memref_slice %arg4[%add3A_372, %dma_wait3A_380] : memref<16384x256xf32, #tpu.memory_space<hbm>> -> memref<64x256xf32, #tpu.memory_space<hbm>>
    %dma_wait3A_382 = arith.constant 0 : i32
    %dma_wait3A_383 = arith.constant 0 : i32
    %dma_wait3A_384 = tpu.memref_slice %arg6[%dma_wait3A_373, %dma_wait3A_382, %dma_wait3A_383] : memref<4x64x256xf32, #tpu.memory_space<vmem>> -> memref<1x64x256xf32, #tpu.memory_space<vmem>>
    %dma_wait3A_385 = tpu.memref_squeeze %dma_wait3A_384 : memref<1x64x256xf32, #tpu.memory_space<vmem>> -> memref<64x256xf32, #tpu.memory_space<vmem>>
    tpu.wait_dma2 semaphore(%arg13 : memref<!tpu.dma_semaphore, #tpu.memory_space<semaphore_mem>>) src(%dma_wait3A_385 : memref<64x256xf32, #tpu.memory_space<vmem>>) dst(%dma_wait3A_381 : memref<64x256xf32, #tpu.memory_space<hbm>>)
    %add3A_386 = arith.constant 448 : i32
    %add3A_387 = arith.addi %mul3A_2, %add3A_386 : i32
    %dma_wait3A_388 = arith.constant 3 : i32
    %dma_wait3A_389 = arith.constant 0 : i32
    %dma_wait3A_390 = arith.constant 0 : i32
    %dma_wait3A_391 = tpu.memref_slice %arg6[%dma_wait3A_388, %dma_wait3A_389, %dma_wait3A_390] : memref<4x64x256xf32, #tpu.memory_space<vmem>> -> memref<1x64x256xf32, #tpu.memory_space<vmem>>
    %dma_wait3A_392 = tpu.memref_squeeze %dma_wait3A_391 : memref<1x64x256xf32, #tpu.memory_space<vmem>> -> memref<64x256xf32, #tpu.memory_space<vmem>>
    %dma_wait3A_393 = arith.constant 0 : i32
    %dma_wait3A_394 = tpu.memref_slice %arg4[%add3A_387, %dma_wait3A_393] : memref<16384x256xf32, #tpu.memory_space<hbm>> -> memref<64x256xf32, #tpu.memory_space<hbm>>
    %dma_wait3A_395 = arith.constant 0 : i32
    %dma_wait3A_396 = tpu.memref_slice %arg4[%add3A_387, %dma_wait3A_395] : memref<16384x256xf32, #tpu.memory_space<hbm>> -> memref<64x256xf32, #tpu.memory_space<hbm>>
    %dma_wait3A_397 = arith.constant 0 : i32
    %dma_wait3A_398 = arith.constant 0 : i32
    %dma_wait3A_399 = tpu.memref_slice %arg6[%dma_wait3A_388, %dma_wait3A_397, %dma_wait3A_398] : memref<4x64x256xf32, #tpu.memory_space<vmem>> -> memref<1x64x256xf32, #tpu.memory_space<vmem>>
    %dma_wait3A_400 = tpu.memref_squeeze %dma_wait3A_399 : memref<1x64x256xf32, #tpu.memory_space<vmem>> -> memref<64x256xf32, #tpu.memory_space<vmem>>
    tpu.wait_dma2 semaphore(%arg14 : memref<!tpu.dma_semaphore, #tpu.memory_space<semaphore_mem>>) src(%dma_wait3A_400 : memref<64x256xf32, #tpu.memory_space<vmem>>) dst(%dma_wait3A_396 : memref<64x256xf32, #tpu.memory_space<hbm>>)
    return
  }
}

module attributes {stable_mosaic.version = 14 : i64} {
  func.func @_dist_argmin_kernel(%arg0: i32, %arg1: memref<2048x256xf32, #tpu.memory_space<vmem>>, %arg2: memref<1024x256xf32, #tpu.memory_space<vmem>>, %arg3: memref<2048xi32, #tpu.memory_space<vmem>>, %arg4: memref<8xf32, #tpu.memory_space<smem>>, %arg5: memref<1024x256xf32, #tpu.memory_space<vmem>>, %arg6: memref<1x1024xf32, #tpu.memory_space<vmem>>) attributes {dimension_semantics = [#tpu.dimension_semantics<arbitrary>], iteration_bounds = array<i64: 8>, scalar_prefetch = 0 : i64, scratch_operands = 1 : i64, tpu.core_type = #tpu.core_type<tc>, window_params = [{transform_indices = @transform_0, window_bounds = array<i64: 2048, 256>}, {pipeline_mode = #tpu.pipeline_mode<synchronous>, transform_indices = @transform_1, window_bounds = array<i64: 1024, 256>}, {transform_indices = @transform_2, window_bounds = array<i64: 2048>}, {transform_indices = @transform_3, window_bounds = array<i64: 8>}, {pipeline_mode = #tpu.pipeline_mode<synchronous>, transform_indices = @transform_4, window_bounds = array<i64: 1024, 256>}]} {
    %eq3A = arith.constant 0 : i32
    %eq3A_0 = arith.cmpi eq, %arg0, %eq3A : i32
    %convert_element_type3A = arith.extui %eq3A_0 : i1 to i32
    %cond3A = arith.constant 0 : i32
    %cond3A_1 = arith.cmpi ne, %convert_element_type3A, %cond3A : i32
    scf.if %cond3A_1 {
      %get3A_78 = arith.constant 0 : index
      %get3A_79 = arith.constant 0 : index
      %get3A_80 = vector.load %arg2[%get3A_78, %get3A_79] : memref<1024x256xf32, #tpu.memory_space<vmem>>, vector<1024x256xf32>
      %mul3A_81 = arith.mulf %get3A_80, %get3A_80 : vector<1024x256xf32>
      %slice3A_82 = vector.extract_strided_slice %mul3A_81 {offsets = [0, 0], sizes = [1024, 128], strides = [1, 1]} : vector<1024x256xf32> to vector<1024x128xf32>
      %slice3A_83 = vector.extract_strided_slice %mul3A_81 {offsets = [0, 128], sizes = [1024, 128], strides = [1, 1]} : vector<1024x256xf32> to vector<1024x128xf32>
      %add3A_84 = arith.addf %slice3A_82, %slice3A_83 : vector<1024x128xf32>
      %transpose3A_85 = tpu.transpose %add3A_84, [1, 0] : vector<1024x128xf32> -> vector<128x1024xf32>
      %slice3A_86 = vector.extract_strided_slice %transpose3A_85 {offsets = [0, 0], sizes = [8, 1024], strides = [1, 1]} : vector<128x1024xf32> to vector<8x1024xf32>
      %slice3A_87 = vector.extract_strided_slice %transpose3A_85 {offsets = [8, 0], sizes = [8, 1024], strides = [1, 1]} : vector<128x1024xf32> to vector<8x1024xf32>
      %add3A_88 = arith.addf %slice3A_86, %slice3A_87 : vector<8x1024xf32>
      %slice3A_89 = vector.extract_strided_slice %transpose3A_85 {offsets = [16, 0], sizes = [8, 1024], strides = [1, 1]} : vector<128x1024xf32> to vector<8x1024xf32>
      %add3A_90 = arith.addf %add3A_88, %slice3A_89 : vector<8x1024xf32>
      %slice3A_91 = vector.extract_strided_slice %transpose3A_85 {offsets = [24, 0], sizes = [8, 1024], strides = [1, 1]} : vector<128x1024xf32> to vector<8x1024xf32>
      %add3A_92 = arith.addf %add3A_90, %slice3A_91 : vector<8x1024xf32>
      %slice3A_93 = vector.extract_strided_slice %transpose3A_85 {offsets = [32, 0], sizes = [8, 1024], strides = [1, 1]} : vector<128x1024xf32> to vector<8x1024xf32>
      %add3A_94 = arith.addf %add3A_92, %slice3A_93 : vector<8x1024xf32>
      %slice3A_95 = vector.extract_strided_slice %transpose3A_85 {offsets = [40, 0], sizes = [8, 1024], strides = [1, 1]} : vector<128x1024xf32> to vector<8x1024xf32>
      %add3A_96 = arith.addf %add3A_94, %slice3A_95 : vector<8x1024xf32>
      %slice3A_97 = vector.extract_strided_slice %transpose3A_85 {offsets = [48, 0], sizes = [8, 1024], strides = [1, 1]} : vector<128x1024xf32> to vector<8x1024xf32>
      %add3A_98 = arith.addf %add3A_96, %slice3A_97 : vector<8x1024xf32>
      %slice3A_99 = vector.extract_strided_slice %transpose3A_85 {offsets = [56, 0], sizes = [8, 1024], strides = [1, 1]} : vector<128x1024xf32> to vector<8x1024xf32>
      %add3A_100 = arith.addf %add3A_98, %slice3A_99 : vector<8x1024xf32>
      %slice3A_101 = vector.extract_strided_slice %transpose3A_85 {offsets = [64, 0], sizes = [8, 1024], strides = [1, 1]} : vector<128x1024xf32> to vector<8x1024xf32>
      %add3A_102 = arith.addf %add3A_100, %slice3A_101 : vector<8x1024xf32>
      %slice3A_103 = vector.extract_strided_slice %transpose3A_85 {offsets = [72, 0], sizes = [8, 1024], strides = [1, 1]} : vector<128x1024xf32> to vector<8x1024xf32>
      %add3A_104 = arith.addf %add3A_102, %slice3A_103 : vector<8x1024xf32>
      %slice3A_105 = vector.extract_strided_slice %transpose3A_85 {offsets = [80, 0], sizes = [8, 1024], strides = [1, 1]} : vector<128x1024xf32> to vector<8x1024xf32>
      %add3A_106 = arith.addf %add3A_104, %slice3A_105 : vector<8x1024xf32>
      %slice3A_107 = vector.extract_strided_slice %transpose3A_85 {offsets = [88, 0], sizes = [8, 1024], strides = [1, 1]} : vector<128x1024xf32> to vector<8x1024xf32>
      %add3A_108 = arith.addf %add3A_106, %slice3A_107 : vector<8x1024xf32>
      %slice3A_109 = vector.extract_strided_slice %transpose3A_85 {offsets = [96, 0], sizes = [8, 1024], strides = [1, 1]} : vector<128x1024xf32> to vector<8x1024xf32>
      %add3A_110 = arith.addf %add3A_108, %slice3A_109 : vector<8x1024xf32>
      %slice3A_111 = vector.extract_strided_slice %transpose3A_85 {offsets = [104, 0], sizes = [8, 1024], strides = [1, 1]} : vector<128x1024xf32> to vector<8x1024xf32>
      %add3A_112 = arith.addf %add3A_110, %slice3A_111 : vector<8x1024xf32>
      %slice3A_113 = vector.extract_strided_slice %transpose3A_85 {offsets = [112, 0], sizes = [8, 1024], strides = [1, 1]} : vector<128x1024xf32> to vector<8x1024xf32>
      %add3A_114 = arith.addf %add3A_112, %slice3A_113 : vector<8x1024xf32>
      %slice3A_115 = vector.extract_strided_slice %transpose3A_85 {offsets = [120, 0], sizes = [8, 1024], strides = [1, 1]} : vector<128x1024xf32> to vector<8x1024xf32>
      %add3A_116 = arith.addf %add3A_114, %slice3A_115 : vector<8x1024xf32>
      %slice3A_117 = vector.extract_strided_slice %add3A_116 {offsets = [0, 0], sizes = [1, 1024], strides = [1, 1]} : vector<8x1024xf32> to vector<1x1024xf32>
      %slice3A_118 = vector.extract_strided_slice %add3A_116 {offsets = [1, 0], sizes = [1, 1024], strides = [1, 1]} : vector<8x1024xf32> to vector<1x1024xf32>
      %slice3A_119 = vector.extract_strided_slice %add3A_116 {offsets = [2, 0], sizes = [1, 1024], strides = [1, 1]} : vector<8x1024xf32> to vector<1x1024xf32>
      %slice3A_120 = vector.extract_strided_slice %add3A_116 {offsets = [3, 0], sizes = [1, 1024], strides = [1, 1]} : vector<8x1024xf32> to vector<1x1024xf32>
      %slice3A_121 = vector.extract_strided_slice %add3A_116 {offsets = [4, 0], sizes = [1, 1024], strides = [1, 1]} : vector<8x1024xf32> to vector<1x1024xf32>
      %slice3A_122 = vector.extract_strided_slice %add3A_116 {offsets = [5, 0], sizes = [1, 1024], strides = [1, 1]} : vector<8x1024xf32> to vector<1x1024xf32>
      %slice3A_123 = vector.extract_strided_slice %add3A_116 {offsets = [6, 0], sizes = [1, 1024], strides = [1, 1]} : vector<8x1024xf32> to vector<1x1024xf32>
      %slice3A_124 = vector.extract_strided_slice %add3A_116 {offsets = [7, 0], sizes = [1, 1024], strides = [1, 1]} : vector<8x1024xf32> to vector<1x1024xf32>
      %add3A_125 = arith.addf %slice3A_122, %slice3A_118 : vector<1x1024xf32>
      %add3A_126 = arith.addf %slice3A_124, %slice3A_120 : vector<1x1024xf32>
      %add3A_127 = arith.addf %add3A_125, %add3A_126 : vector<1x1024xf32>
      %add3A_128 = arith.addf %slice3A_123, %slice3A_119 : vector<1x1024xf32>
      %add3A_129 = arith.addf %slice3A_117, %slice3A_121 : vector<1x1024xf32>
      %add3A_130 = arith.addf %add3A_128, %add3A_129 : vector<1x1024xf32>
      %add3A_131 = arith.addf %add3A_127, %add3A_130 : vector<1x1024xf32>
      %swap3A_132 = arith.constant 0 : index
      %swap3A_133 = arith.constant 0 : index
      %swap3A_134 = vector.load %arg6[%swap3A_132, %swap3A_133] : memref<1x1024xf32, #tpu.memory_space<vmem>>, vector<1x1024xf32>
      tpu.vector_store %arg6[%swap3A_132, %swap3A_133], %add3A_131 {strides = array<i32>} : memref<1x1024xf32, #tpu.memory_space<vmem>>, vector<1x1024xf32>,
      %bitcast_convert_type3A = tpu.bitcast %get3A_80 : vector<1024x256xf32> -> vector<1024x256xi32>
      %add3A_135 = arith.constant 32767 : i32
      %add3A_136 = vector.broadcast %add3A_135 : i32 to vector<1024x256xi32>
      %add3A_137 = arith.addi %bitcast_convert_type3A, %add3A_136 : vector<1024x256xi32>
      %shift_right_arithmetic3A = arith.constant 16 : i32
      %shift_right_arithmetic3A_138 = vector.broadcast %shift_right_arithmetic3A : i32 to vector<1024x256xi32>
      %shift_right_arithmetic3A_139 = arith.shrsi %bitcast_convert_type3A, %shift_right_arithmetic3A_138 : vector<1024x256xi32>
      %and3A = arith.constant 1 : i32
      %and3A_140 = vector.broadcast %and3A : i32 to vector<1024x256xi32>
      %and3A_141 = arith.andi %shift_right_arithmetic3A_139, %and3A_140 : vector<1024x256xi32>
      %add3A_142 = arith.addi %add3A_137, %and3A_141 : vector<1024x256xi32>
      %and3A_143 = arith.constant -65536 : i32
      %and3A_144 = vector.broadcast %and3A_143 : i32 to vector<1024x256xi32>
      %and3A_145 = arith.andi %add3A_142, %and3A_144 : vector<1024x256xi32>
      %bitcast_convert_type3A_146 = tpu.bitcast %and3A_145 : vector<1024x256xi32> -> vector<1024x256xf32>
      %swap3A_147 = arith.constant 0 : index
      %swap3A_148 = arith.constant 0 : index
      %swap3A_149 = vector.load %arg5[%swap3A_147, %swap3A_148] : memref<1024x256xf32, #tpu.memory_space<vmem>>, vector<1024x256xf32>
      tpu.vector_store %arg5[%swap3A_147, %swap3A_148], %bitcast_convert_type3A_146 {strides = array<i32>} : memref<1024x256xf32, #tpu.memory_space<vmem>>, vector<1024x256xf32>,
    } else {
    }
    %get3A = arith.constant 0 : index
    %get3A_2 = arith.constant 0 : index
    %get3A_3 = vector.load %arg1[%get3A, %get3A_2] : memref<2048x256xf32, #tpu.memory_space<vmem>>, vector<2048x256xf32>
    %mul3A = arith.mulf %get3A_3, %get3A_3 : vector<2048x256xf32>
    %slice3A = vector.extract_strided_slice %mul3A {offsets = [0, 0], sizes = [2048, 128], strides = [1, 1]} : vector<2048x256xf32> to vector<2048x128xf32>
    %slice3A_4 = vector.extract_strided_slice %mul3A {offsets = [0, 128], sizes = [2048, 128], strides = [1, 1]} : vector<2048x256xf32> to vector<2048x128xf32>
    %add3A = arith.addf %slice3A, %slice3A_4 : vector<2048x128xf32>
    %transpose3A = tpu.transpose %add3A, [1, 0] : vector<2048x128xf32> -> vector<128x2048xf32>
    %slice3A_5 = vector.extract_strided_slice %transpose3A {offsets = [0, 0], sizes = [8, 2048], strides = [1, 1]} : vector<128x2048xf32> to vector<8x2048xf32>
    %slice3A_6 = vector.extract_strided_slice %transpose3A {offsets = [8, 0], sizes = [8, 2048], strides = [1, 1]} : vector<128x2048xf32> to vector<8x2048xf32>
    %add3A_7 = arith.addf %slice3A_5, %slice3A_6 : vector<8x2048xf32>
    %slice3A_8 = vector.extract_strided_slice %transpose3A {offsets = [16, 0], sizes = [8, 2048], strides = [1, 1]} : vector<128x2048xf32> to vector<8x2048xf32>
    %add3A_9 = arith.addf %add3A_7, %slice3A_8 : vector<8x2048xf32>
    %slice3A_10 = vector.extract_strided_slice %transpose3A {offsets = [24, 0], sizes = [8, 2048], strides = [1, 1]} : vector<128x2048xf32> to vector<8x2048xf32>
    %add3A_11 = arith.addf %add3A_9, %slice3A_10 : vector<8x2048xf32>
    %slice3A_12 = vector.extract_strided_slice %transpose3A {offsets = [32, 0], sizes = [8, 2048], strides = [1, 1]} : vector<128x2048xf32> to vector<8x2048xf32>
    %add3A_13 = arith.addf %add3A_11, %slice3A_12 : vector<8x2048xf32>
    %slice3A_14 = vector.extract_strided_slice %transpose3A {offsets = [40, 0], sizes = [8, 2048], strides = [1, 1]} : vector<128x2048xf32> to vector<8x2048xf32>
    %add3A_15 = arith.addf %add3A_13, %slice3A_14 : vector<8x2048xf32>
    %slice3A_16 = vector.extract_strided_slice %transpose3A {offsets = [48, 0], sizes = [8, 2048], strides = [1, 1]} : vector<128x2048xf32> to vector<8x2048xf32>
    %add3A_17 = arith.addf %add3A_15, %slice3A_16 : vector<8x2048xf32>
    %slice3A_18 = vector.extract_strided_slice %transpose3A {offsets = [56, 0], sizes = [8, 2048], strides = [1, 1]} : vector<128x2048xf32> to vector<8x2048xf32>
    %add3A_19 = arith.addf %add3A_17, %slice3A_18 : vector<8x2048xf32>
    %slice3A_20 = vector.extract_strided_slice %transpose3A {offsets = [64, 0], sizes = [8, 2048], strides = [1, 1]} : vector<128x2048xf32> to vector<8x2048xf32>
    %add3A_21 = arith.addf %add3A_19, %slice3A_20 : vector<8x2048xf32>
    %slice3A_22 = vector.extract_strided_slice %transpose3A {offsets = [72, 0], sizes = [8, 2048], strides = [1, 1]} : vector<128x2048xf32> to vector<8x2048xf32>
    %add3A_23 = arith.addf %add3A_21, %slice3A_22 : vector<8x2048xf32>
    %slice3A_24 = vector.extract_strided_slice %transpose3A {offsets = [80, 0], sizes = [8, 2048], strides = [1, 1]} : vector<128x2048xf32> to vector<8x2048xf32>
    %add3A_25 = arith.addf %add3A_23, %slice3A_24 : vector<8x2048xf32>
    %slice3A_26 = vector.extract_strided_slice %transpose3A {offsets = [88, 0], sizes = [8, 2048], strides = [1, 1]} : vector<128x2048xf32> to vector<8x2048xf32>
    %add3A_27 = arith.addf %add3A_25, %slice3A_26 : vector<8x2048xf32>
    %slice3A_28 = vector.extract_strided_slice %transpose3A {offsets = [96, 0], sizes = [8, 2048], strides = [1, 1]} : vector<128x2048xf32> to vector<8x2048xf32>
    %add3A_29 = arith.addf %add3A_27, %slice3A_28 : vector<8x2048xf32>
    %slice3A_30 = vector.extract_strided_slice %transpose3A {offsets = [104, 0], sizes = [8, 2048], strides = [1, 1]} : vector<128x2048xf32> to vector<8x2048xf32>
    %add3A_31 = arith.addf %add3A_29, %slice3A_30 : vector<8x2048xf32>
    %slice3A_32 = vector.extract_strided_slice %transpose3A {offsets = [112, 0], sizes = [8, 2048], strides = [1, 1]} : vector<128x2048xf32> to vector<8x2048xf32>
    %add3A_33 = arith.addf %add3A_31, %slice3A_32 : vector<8x2048xf32>
    %slice3A_34 = vector.extract_strided_slice %transpose3A {offsets = [120, 0], sizes = [8, 2048], strides = [1, 1]} : vector<128x2048xf32> to vector<8x2048xf32>
    %add3A_35 = arith.addf %add3A_33, %slice3A_34 : vector<8x2048xf32>
    %slice3A_36 = vector.extract_strided_slice %add3A_35 {offsets = [0, 0], sizes = [1, 2048], strides = [1, 1]} : vector<8x2048xf32> to vector<1x2048xf32>
    %slice3A_37 = vector.extract_strided_slice %add3A_35 {offsets = [1, 0], sizes = [1, 2048], strides = [1, 1]} : vector<8x2048xf32> to vector<1x2048xf32>
    %slice3A_38 = vector.extract_strided_slice %add3A_35 {offsets = [2, 0], sizes = [1, 2048], strides = [1, 1]} : vector<8x2048xf32> to vector<1x2048xf32>
    %slice3A_39 = vector.extract_strided_slice %add3A_35 {offsets = [3, 0], sizes = [1, 2048], strides = [1, 1]} : vector<8x2048xf32> to vector<1x2048xf32>
    %slice3A_40 = vector.extract_strided_slice %add3A_35 {offsets = [4, 0], sizes = [1, 2048], strides = [1, 1]} : vector<8x2048xf32> to vector<1x2048xf32>
    %slice3A_41 = vector.extract_strided_slice %add3A_35 {offsets = [5, 0], sizes = [1, 2048], strides = [1, 1]} : vector<8x2048xf32> to vector<1x2048xf32>
    %slice3A_42 = vector.extract_strided_slice %add3A_35 {offsets = [6, 0], sizes = [1, 2048], strides = [1, 1]} : vector<8x2048xf32> to vector<1x2048xf32>
    %slice3A_43 = vector.extract_strided_slice %add3A_35 {offsets = [7, 0], sizes = [1, 2048], strides = [1, 1]} : vector<8x2048xf32> to vector<1x2048xf32>
    %add3A_44 = arith.addf %slice3A_41, %slice3A_37 : vector<1x2048xf32>
    %add3A_45 = arith.addf %slice3A_43, %slice3A_39 : vector<1x2048xf32>
    %add3A_46 = arith.addf %add3A_44, %add3A_45 : vector<1x2048xf32>
    %add3A_47 = arith.addf %slice3A_42, %slice3A_38 : vector<1x2048xf32>
    %add3A_48 = arith.addf %slice3A_36, %slice3A_40 : vector<1x2048xf32>
    %add3A_49 = arith.addf %add3A_47, %add3A_48 : vector<1x2048xf32>
    %add3A_50 = arith.addf %add3A_46, %add3A_49 : vector<1x2048xf32>
    %transpose3A_51 = tpu.transpose %add3A_50, [1, 0] : vector<1x2048xf32> -> vector<2048x1xf32>
    %get3A_52 = arith.constant 0 : index
    %get3A_53 = arith.constant 0 : index
    %get3A_54 = vector.load %arg2[%get3A_52, %get3A_53] : memref<1024x256xf32, #tpu.memory_space<vmem>>, vector<1024x256xf32>
    %dot_general3A = arith.constant dense<0.000000e+00> : vector<2048x1024xf32>
    %dot_general3A_55 = tpu.matmul %get3A_3, %get3A_54, %dot_general3A {dimension_numbers = #tpu.dot_dimension_numbers<[1], [1], [0], [0], [0, 0, 1, 0], [], []>, transpose_lhs_hint = false} : vector<2048x256xf32>, vector<1024x256xf32>, vector<2048x1024xf32> -> vector<2048x1024xf32>
    %mul3A_56 = arith.constant 2.000000e+00 : f32
    %mul3A_57 = vector.broadcast %mul3A_56 : f32 to vector<2048x1024xf32>
    %mul3A_58 = arith.mulf %mul3A_57, %dot_general3A_55 : vector<2048x1024xf32>
    %sub3A = vector.broadcast %transpose3A_51 : vector<2048x1xf32> to vector<2048x1024xf32>
    %sub3A_59 = arith.subf %sub3A, %mul3A_58 : vector<2048x1024xf32>
    %get3A_60 = arith.constant 0 : index
    %get3A_61 = arith.constant 0 : index
    %get3A_62 = vector.load %arg6[%get3A_60, %get3A_61] : memref<1x1024xf32, #tpu.memory_space<vmem>>, vector<1x1024xf32>
    %add3A_63 = vector.broadcast %get3A_62 : vector<1x1024xf32> to vector<2048x1024xf32>
    %add3A_64 = arith.addf %sub3A_59, %add3A_63 : vector<2048x1024xf32>
    %reduce_min3A = arith.constant dense<0x7F800000> : vector<2048xf32>
    %reduce_min3A_65 = vector.multi_reduction <minimumf>, %add3A_64, %reduce_min3A [1] : vector<2048x1024xf32> to vector<2048xf32>
    %broadcast_in_dim3A = vector.shape_cast %reduce_min3A_65 : vector<2048xf32> to vector<2048x1xf32>
    %iota3A = tpu.iota {dimensions = array<i32: 1>} : vector<2048x1024xi32>
    %eq3A_66 = vector.broadcast %broadcast_in_dim3A : vector<2048x1xf32> to vector<2048x1024xf32>
    %eq3A_67 = arith.cmpf oeq, %add3A_64, %eq3A_66 : vector<2048x1024xf32>
    %jit3A = arith.constant 1024 : i32
    %broadcast_in_dim3A_68 = vector.broadcast %jit3A : i32 to vector<2048x1024xi32>
    %select_n3A = arith.select %eq3A_67, %iota3A, %broadcast_in_dim3A_68 : vector<2048x1024xi1>, vector<2048x1024xi32>
    %reduce_min3A_69 = arith.constant dense<2147483647> : vector<2048xi32>
    %reduce_min3A_70 = vector.multi_reduction <minsi>, %select_n3A, %reduce_min3A_69 [1] : vector<2048x1024xi32> to vector<2048xi32>
    %swap3A = arith.constant 0 : index
    %swap3A_71 = vector.load %arg3[%swap3A] : memref<2048xi32, #tpu.memory_space<vmem>>, vector<2048xi32>
    tpu.vector_store %arg3[%swap3A], %reduce_min3A_70 {strides = array<i32>} : memref<2048xi32, #tpu.memory_space<vmem>>, vector<2048xi32>,
    %reduce_sum3A = vector.shape_cast %broadcast_in_dim3A : vector<2048x1xf32> to vector<1x2048x1xf32>
    %reduce_sum3A_72 = arith.constant dense<0.000000e+00> : vector<1xf32>
    %reduce_sum3A_73 = vector.multi_reduction <add>, %reduce_sum3A, %reduce_sum3A_72 [1, 2] : vector<1x2048x1xf32> to vector<1xf32>
    %reduce_sum3A_74 = vector.shape_cast %reduce_sum3A_73 : vector<1xf32> to vector<1x1x1xf32>
    %reduce_sum3A_75 = vector.extract %reduce_sum3A_74[0, 0, 0] : f32 from vector<1x1x1xf32>
    %swap3A_76 = arith.index_cast %arg0 : i32 to index
    %swap3A_77 = memref.load %arg4[%swap3A_76] : memref<8xf32, #tpu.memory_space<smem>>
    memref.store %reduce_sum3A_75, %arg4[%swap3A_76] : memref<8xf32, #tpu.memory_space<smem>>
    return
  }
  func.func @transform_0(%arg0: i32) -> (i32, i32) {
    %c0_i32 = arith.constant 0 : i32
    %c0_i32_0 = arith.constant 0 : i32
    return %arg0, %c0_i32 : i32, i32
  }
  func.func @transform_1(%arg0: i32) -> (i32, i32) {
    %c0_i32 = arith.constant 0 : i32
    %c0_i32_0 = arith.constant 0 : i32
    %c0_i32_1 = arith.constant 0 : i32
    return %c0_i32, %c0_i32_0 : i32, i32
  }
  func.func @transform_2(%arg0: i32) -> i32 {
    %c0_i32 = arith.constant 0 : i32
    return %arg0 : i32
  }
  func.func @transform_3(%arg0: i32) -> i32 {
    %c0_i32 = arith.constant 0 : i32
    %c0_i32_0 = arith.constant 0 : i32
    return %c0_i32 : i32
  }
  func.func @transform_4(%arg0: i32) -> (i32, i32) {
    %c0_i32 = arith.constant 0 : i32
    %c0_i32_0 = arith.constant 0 : i32
    %c0_i32_1 = arith.constant 0 : i32
    return %c0_i32, %c0_i32_0 : i32, i32
  }
}

</mosaic_0001>

<sc_bundles>
// kernel: kernel.4.cloned.1.call-start
scs
__scs_entry_jumppad:
0x0: {  	(pc) =	sbr.rel $0x88, $3  }
0x1: {  	(tag) =	ssettag $0x0;
	lr =	simm.s32 $0x1  }
0x2: {  	[smem:$0x3F9F] =	sst lr;
	_ =	strace $0xD0000000  }
0x3: {  	_ = 	snop  }
0x4: {  	_ = 	snop  }
0x5: {  	_ = 	snop  }
0x6: {  	_ = 	snop  }
0x7: {  	_ = 	snop  }
__scs_overlays_trampoline_lowered:
0x8: {  	[smem:$0x3FAE] =	sst s0  }
0x9: {  	[smem:$0x3FAF] =	sst s1  }
0xa: {  	[smem:$0x3FB0] =	sst s2  }
0xb: {  	[smem:$0x3FB1] =	sst s3  }
0xc: {  	[smem:$0x3FB2] =	sst s4  }
0xd: {  	[smem:$0x3FB3] =	sst s5  }
0xe: {  	[smem:$0x3FB4] =	sst s6  }
0xf: {  	[smem:$0x3FB5] =	sst s7  }
0x10: {  	[smem:$0x3FB6] =	sst s8  }
0x11: {  	[smem:$0x3FB7] =	sst s9;
	s0 =	simm.s32 @!p0 $0x0  }
0x12: {  	s1 =	sld [smem:$0x3F9D];
	s0 =	simm.s32 @p0 $0x1  }
0x13: {  	[smem:$0x3FB8] =	sst s0;
	s0 =	simm.s32 @!p1 $0x0  }
0x14: {  	s2 =	sld [smem:$0x3F9C];
	s0 =	simm.s32 @p1 $0x1  }
0x15: {  	[smem:$0x3FB9] =	sst s0;
	s0 =	simm.s32 @!p2 $0x0  }
0x16: {  	s3 =	sld [smem:$0x3FDB];
	s0 =	simm.s32 @p2 $0x1  }
0x17: {  	s4 =	simm.s32 $0x1BF5;
	[smem:$0x3FBB] =	sst s0  }
0x18: {  	s0 =	sld [smem:$0x3F9E];
	_ =	swait.ge [sflag:s4], $0x0  }
0x19: {  	s7 =	sld [smem:$0x3F9F]  }
0x1a: {  	s8 =	sadd.s32 $0xFFFFE003, lr  }
0x1b: {  	s9 =	sadd.s32 $0xFFFFFEF7, lr;
	s5 =	simm.s32 $0xFFFFFFFF;
	p2 =	slt.u32 s8, $0xFFFFF086  }
0x1c: {  	p1 =	slt.u32 s9, $0xF7A;
	s5 =	simm.s32 @!p2 $0x0  }
0x1d: {  	s5 =	simm.s32 @p1 $0x1;
	p0 =	seq.s32 s7, s2  }
0x1e: {  	s7 =	smul.u32 @!p0 $0xF7A, s2;
	p2 =	seq.s32 @!p0 s5, $0x0  }
0x1f: {  	s9 =	smul.u32 $0xF7A, s1;
	s8 =	simm.s32 @!p0 $0x1BF5;
	p2 =	por !p2, p0  }
0x20: {  	[sflag:s8] =	ssyncset.s32 @!p0 $0xFFFFF086;
	s6 =	sadd.s32 @!p0 s3, s7;
	s7 =	simm.s32 @!p0 $0x108  }
0x21: {  	s3 =	sadd.s32 s3, s9;
	s6 =	sadd.s32 @!p0 $0x88, s6;
	s7 =	simm.s32 @p2 $0x1082  }
0x22: {  	[simem:s7], [sflag:s8] =	dma.local @!p0 [hbm:s6], $0xF7A  }
0x23: {  	s9 =	sor.u32 $0xD0000000, s2;
	s6 =	simm.s32 $0x108;
	_ =	swait.ge @!p0 [sflag:s8], $0x0  }
0x24: {  	s3 =	sadd.s32 $0x88, s3;
	s6 =	simm.s32 @!p1 $0x1082;
	[sflag:s4] =	ssyncset.s32 $0xFFFFF086  }
0x25: {  	[simem:s6], [sflag:s4] =	dma.local [hbm:s3], $0xF7A  }
0x26: {  	[smem:$0x3F9F] =	sst s1;
	(tag) =	ssettag s2;
	_ =	strace s9  }
0x27: {  	s1 =	sld [smem:$0x3FAF]  }
0x28: {  	s2 =	sld [smem:$0x3FB0]  }
0x29: {  	s4 =	sld [smem:$0x3FB2]  }
0x2a: {  	p0 =	seq.s32 s5, $0x0;
	s5 =	sld [smem:$0x3FB3]  }
0x2b: {  	s6 =	sld [smem:$0x3FB4]  }
0x2c: {  	s7 =	sld [smem:$0x3FB5]  }
0x2d: {  	s3 =	simm.s32 $0x108;
	s8 =	sld [smem:$0x3FB6]  }
0x2e: {  	s3 =	simm.s32 @!p0 $0x1082;
	s9 =	sld [smem:$0x3FB7]  }
0x2f: {  	lr =	sadd.s32 s0, s3;
	s0 =	sld [smem:$0x3FAE]  }
0x30: {  	s3 =	sld [smem:$0x3FB1]  }
0x31: {  	[smem:$0x3FBA] =	sst s10  }
0x32: {  	s10 =	sld [smem:$0x3FB8];
	_ =	sdelay $0x3  }
0x33: {  	p0 =	seq.s32 s10, $0x1;
	s10 =	sld [smem:$0x3FBA];
	_ =	sdelay $0x3  }
0x34: {  	[smem:$0x3FBA] =	sst s10  }
0x35: {  	s10 =	sld [smem:$0x3FB9];
	_ =	sdelay $0x3  }
0x36: {  	p1 =	seq.s32 s10, $0x1;
	s10 =	sld [smem:$0x3FBA];
	_ =	sdelay $0x3  }
0x37: {  	[smem:$0x3FBA] =	sst s10  }
0x38: {  	s10 =	sld [smem:$0x3FBB]  }
0x39: {  	_ = 	snop;
	(pc) =	sbr.ind lr, $3  }
0x3a: {  	_ = 	snop  }
0x3b: {  	_ = 	snop  }
0x3c: {  	p2 =	seq.s32 s10, $0x1;
	s10 =	sld [smem:$0x3FBA]  }
0x3d: {  	_ =	shalt  }
0x3e: {  	_ =	shalt  }
0x3f: {  	_ =	shalt  }
0x40: {  	_ =	shalt  }
0x41: {  	_ =	shalt  }
0x42: {  	_ =	shalt  }
0x43: {  	_ =	shalt  }
0x44: {  	_ =	shalt  }
0x45: {  	_ =	shalt  }
0x46: {  	_ =	shalt  }
0x47: {  	_ =	shalt  }
0x48: {  	_ =	shalt  }
0x49: {  	_ =	shalt  }
0x4a: {  	_ =	shalt  }
0x4b: {  	_ =	shalt  }
0x4c: {  	_ =	shalt  }
0x4d: {  	_ =	shalt  }
0x4e: {  	_ =	shalt  }
0x4f: {  	_ =	shalt  }
0x50: {  	_ =	shalt  }
0x51: {  	_ =	shalt  }
0x52: {  	_ =	shalt  }
0x53: {  	_ =	shalt  }
0x54: {  	_ =	shalt  }
0x55: {  	_ =	shalt  }
0x56: {  	_ =	shalt  }
0x57: {  	_ =	shalt  }
0x58: {  	_ =	shalt  }
0x59: {  	_ =	shalt  }
0x5a: {  	_ =	shalt  }
0x5b: {  	_ =	shalt  }
0x5c: {  	_ =	shalt  }
0x5d: {  	_ =	shalt  }
0x5e: {  	_ =	shalt  }
0x5f: {  	_ =	shalt  }
0x60: {  	_ =	shalt  }
0x61: {  	_ =	shalt  }
0x62: {  	_ =	shalt  }
0x63: {  	_ =	shalt  }
0x64: {  	_ =	shalt  }
0x65: {  	_ =	shalt  }
0x66: {  	_ =	shalt  }
0x67: {  	_ =	shalt  }
0x68: {  	_ =	shalt  }
0x69: {  	_ =	shalt  }
0x6a: {  	_ =	shalt  }
0x6b: {  	_ =	shalt  }
0x6c: {  	_ =	shalt  }
0x6d: {  	_ =	shalt  }
0x6e: {  	_ =	shalt  }
0x6f: {  	_ =	shalt  }
0x70: {  	_ =	shalt  }
0x71: {  	_ =	shalt  }
0x72: {  	_ =	shalt  }
0x73: {  	_ =	shalt  }
0x74: {  	_ =	shalt  }
0x75: {  	_ =	shalt  }
0x76: {  	_ =	shalt  }
0x77: {  	_ =	shalt  }
0x78: {  	_ =	shalt  }
0x79: {  	_ =	shalt  }
0x7a: {  	_ =	shalt  }
0x7b: {  	_ =	shalt  }
0x7c: {  	_ =	shalt  }
0x7d: {  	_ =	shalt  }
0x7e: {  	_ =	shalt  }
0x7f: {  	_ =	shalt  }
0x80: {  	_ =	shalt  }
0x81: {  	_ =	shalt  }
0x82: {  	_ =	shalt  }
0x83: {  	_ =	shalt  }
0x84: {  	_ =	shalt  }
0x85: {  	_ =	shalt  }
0x86: {  	_ =	shalt  }
0x87: {  	_ =	shalt  }
.Lfunc_end0:
.L_simem_size_0:
called_computation_lowered:
.L_overlay_start_0:
0x88: {  	s2 =	sld [smem:$0x3FD9]  }
0x89: {  	s3 =	sld [smem:$0x3FFE];
	_ =	sdelay $0x1  }
0x8a: {  	s1 =	srdreg.scid  }
0x8b: {  	s0 =	sand.u32 $0x1, s1  }
0x8c: {  	s14 =	sshll.u32 s0, $0xA;
	s2 =	sadd.s32 s3, s2  }
0x8d: {  	s2 =	sadd.s32 s2, s14  }
0x8e: {  	[smem:$0x3FC6] =	sst s2  }
0x8f: {  	_ = 	snop  }
0x90: {  	s2 =	sld [smem:$0x3FD0];
	_ =	sdelay $0x2  }
0x91: {  	s15 =	simm.s32 $0xA;
	s4 =	simm.s32 $0x10  }
0x92: {  	[smem:s4], [sflag:s15] =	dma.local [hbm:s2], $0x1  }
0x93: {  	_ =	swait.eq [sflag:s15], $0x1  }
0x94: {  	[sflag:s15] =	ssyncset.done $0x0  }
0x95: {  	[sflag:s15] =	ssyncadd.s32 $0xFFFFFFFF  }
0x96: {  	s16 =	sld [smem:$0x10];
	(tm) =	ssettm $0x1  }
0x97: {  	s17 =	sld [smem:$0x3FFB];
	_ =	sdelay $0x3  }
0x98: {  	_ =	strace s17  }
0x99: {  	s3 =	sld [smem:$0x3FFC];
	_ =	sdelay $0x3  }
0x9a: {  	_ =	strace s3  }
0x9b: {  	s3 =	sld [smem:$0x3FFD];
	_ =	sdelay $0x3  }
0x9c: {  	_ =	strace s3  }
0x9d: {  	_ =	strace $0x8FFFFFFF  }
0x9e: {  	s18 =	sld [smem:$0x3FDB];
	_ =	sdelay $0x1  }
0x9f: {  	s19 =	simm.s32 $_scs_section_size  }
0xa0: {  	s5 =	simm.s32 $_size__tile_overlayer_lowered;
	s6 =	simm.s32 $_tile_overlayer_lowered  }
0xa1: {  	s22 =	simm.s32 $0x1BFF;
	s21 =	sshll.u32 s6, $0x1;
	s3 =	sadd.s32 s19, s18  }
0xa2: {  	s7 =	simm.s32 $0x0;
	s20 =	sshll.u32 s5, $0x1;
	s5 =	sadd.s32 s21, s3  }
0xa3: {  	[timem:s7], [sflag:s22] =	dma.local [hbm:s5], s20  }
0xa4: {  	_ =	swait.ge [sflag:s22], s20  }
0xa5: {  	s4 =	ssub.s32 $0x0, s20;
	[sflag:s22] =	ssyncset.done $0x0  }
0xa6: {  	[sflag:s22] =	ssyncadd.s32 s4;
	_ =	sdelay $0x1  }
0xa7: {  	s23 =	simm.s32 $0x1B8B  }
0xa8: {  	_ =	swait.ge [sflag:s23], $0x1  }
0xa9: {  	[sflag:s23] =	ssyncset.done $0x0  }
0xaa: {  	s25 =	simm.s32 $0x1B8E;
	s24 =	sld [smem:$0x3FFE];
	[sflag:s23] =	ssyncadd.s32 $0xFFFFFFFF  }
0xab: {  	s26 =	simm.s32 $execute0_lowered;
	[smem:$0x3FD2] =	sst s25  }
0xac: {  	s5 =	sshll.u32 s26, $0x1;
	_ =	strace $0x80000046;
	[dreg:$0x1] =	wrdreg $0xFFFFFFFF  }
0xad: {  	s28 =	simm.s32 $_size_execute0_lowered;
	s3 =	sadd.s32 s3, s5;
	[dreg:$0x0] =	wrdreg $0x0  }
0xae: {  	s5 =	sshll.u32 s28, $0x1;
	[dreg:$0x2] =	wrdreg s3  }
0xaf: {  	[dreg:$0x3] =	wrdreg s5  }
0xb0: {  	[dreg:$0x4] =	wrdreg $0xC0  }
0xb1: {  	_ =	task [dreg:s7], $0x5FFFF  }
0xb2: {  	[dreg:$0x1] =	wrdreg $0xFFFFFFFF  }
0xb3: {  	[dreg:$0x0] =	wrdreg $0x60  }
0xb4: {  	[dreg:$0x2] =	wrdreg s24  }
0xb5: {  	[dreg:$0x3] =	wrdreg s16  }
0xb6: {  	[dreg:$0x4] =	wrdreg $0x9  }
0xb7: {  	_ =	task.clear_ibuf [dreg:s7], $0x5FFFF;
	_ =	strace $0x90000046  }
0xb8: {  	s29 =	simm.s32 $0x9;
	_ =	strace $0x80000048  }
0xb9: {  	_ =	swait.ge [sflag:s29], $0x1  }
0xba: {  	[sflag:s29] =	ssyncadd.s32 $0xFFFFFFFF  }
0xbb: {  	_ =	strace $0x90000048  }
0xbc: {  	_ =	sfence  }
0xbd: {  	s30 =	sld [smem:$0x0];
	_ =	sdelay $0x2  }
0xbe: {  	s31 =	sshll.u32 s1, $0xD;
	s1 =	sshrl.u32 s1, $0x2  }
0xbf: {  	s3 =	sand.u32 $0x4000, s31;
	s1 =	sadd.s32 s1, s30  }
0xc0: {  	s0 =	sor.u32 s3, s0;
	s1 =	sshll.u32 s1, $0x11  }
0xc1: {  	s0 =	sor.u32 s1, s0  }
0xc2: {  	s0 =	sadd.s32 $0x8F2B, s0  }
0xc3: {  	[sflag:s0] =	ssyncadd.remote.s32 $0x1  }
0xc4: {  	_ =	sfence.sel $0xFFFF  }
0xc5: {  	[dreg:$0x0] =	wrdreg $0xFFFFFFFF;
	(pc) =	sbr.abs _section_cstart, $3  }
0xc6: {  	[dreg:$0x1] =	wrdreg $0xFFFFFFFF  }
0xc7: {  	_ =	task.clear_ibuf [dreg:s7], $0x2FFFF;
	_ =	strace $0x9FFFFFFF  }
0xc8: {  	(tm) =	ssettm $0x7FFFFFFF  }
0xc9: {  	_ =	shalt  }
tec
execute0_lowered:
.L_overlay_start_1:
0x0: {  	(tag) =	ssettag $0x1  }
0x1: {  	s0 =	srdreg.scid;
	s1 =	rddreg [dreg:$0x0]  }
0x2: {  	s2 =	stileid.u32;
	s4 =	rddreg [dreg:$0x1];
	s28 =	simm.s32 $0x2200  }
0x3: {  	s29 =	simm.s32 $0x2A00;
	s30 =	simm.s32 $0x3200;
	s31 =	simm.s32 $0x3A00  }
0x4: {  	s9 =	simm.s32 $0x5A00;
	s10 =	simm.s32 $0x6200;
	s11 =	simm.s32 $0x6A00  }
0x5: {  	s12 =	simm.s32 $0x7200;
	s13 =	simm.s32 $0x7A00;
	s0 =	sand.u32 $0x1, s0  }
0x6: {  	s14 =	simm.s32 $0x9A00;
	s2 =	sshll.u32 s2, $0xA;
	s3 =	sshll.u32 s0, $0x9  }
0x7: {  	s15 =	simm.s32 $0xA200;
	s16 =	simm.s32 $0xAA00;
	s3 =	sor.u32 s3, s2  }
0x8: {  	s2 =	simm.s32 $0x0;
	s5 =	sshrl.u32 s3, $0x3;
	s3 =	sshll.u32 s3, $0x5  }
0x9: {  	[smem:$0x7FF] =	sst s2;
	s5 =	sadd.s32 s5, s1;
	s3 =	sadd.s32 s4, s3  }
0xa: {  	_ =	strace $0x80000047;
	s5 =	sadd.s32 $0x8C00, s5;
	[dreg:$0xb] =	wrdreg s3  }
0xb: {  	s17 =	simm.s32 $0xB200;
	s4 =	sadd.s32 $0x800, s3;
	[dreg:$0x3] =	wrdreg s5  }
0xc: {  	s18 =	simm.s32 $0xBA00;
	s21 =	sadd.s32 $0x1000, s3;
	[dreg:$0x4] =	wrdreg s4  }
0xd: {  	s19 =	simm.s32 $0xC200;
	s22 =	sadd.s32 $0x1800, s3;
	[dreg:$0x5] =	wrdreg s21  }
0xe: {  	s20 =	simm.s32 $0x1;
	s23 =	sadd.s32 $0x2000, s3;
	[dreg:$0x6] =	wrdreg s22  }
0xf: {  	s0 =	ssub.s32 $0x2, s0;
	s24 =	sadd.s32 $0x2800, s3;
	[dreg:$0x7] =	wrdreg s23  }
0x10: {  	s26 =	sshrl.u32 s0, $0x1;
	s25 =	sadd.s32 $0x3000, s3;
	[dreg:$0x8] =	wrdreg s24  }
0x11: {  	v2 =	vlaneseq.u32;
	s0 =	ssub.s32 s0, s26;
	s6 =	sadd.s32 $0x3800, s3;
	[dreg:$0x9] =	wrdreg s25  }
0x12: {  	vm0 =	vmmov $0xffff;
	v1 =	vshrl.u32 v2, $0x3;
	s4 =	sadd.s32 $0xC00, s1;
	[dreg:$0xa] =	wrdreg s6;
	s5 =	smax.u32 s0, $0x1  }
0x13: {  	v0 =	vand.u32 $0x7, v2;
	v2 =	vor.u32 $0x8, v2;
	v1 =	vmul.u32 $0x8, v1;
	s22 =	simm.s32 $0x8;
	s23 =	simm.s32 $0x4200;
	s1 =	simm.s32 $0x8200  }
.LBB2_1:
0x14: {  	s24 =	rddreg [dreg:$0x3];
	s0 =	simm.s32 $0x9  }
0x15: {  	[tilespmem:s2], [sflag:$0x9] =	stream.linear.gather [hbm4b:s24+s2], $0x200, $0x38;
	[tilespmem:$0x10200] =	vst v63  }
0x16: {  	_ =	swait.ge [sflag:s0], $0x200  }
0x17: {  	[sflag:s0] =	ssyncset.done $0x0  }
0x18: {  	[sflag:s0] =	ssyncadd.s32 $0xFFFFFE00  }
0x19: {  	v3 =	vld [tilespmem:$0x0];
	_ =	sdelay $0x4  }
0x1a: {  	v4 =	vshll.u32 v3, $0x1  }
0x1b: {  	v3 =	vand.u32 $0x7, v3;
	v4 =	vand.u32 $0xFFFFFFF0, v4  }
0x1c: {  	v3 =	vor.u32 v3, v4  }
0x1d: {  	v4 =	vperm.xlane v3, v0;
	_ =	sdelay $0x1  }
0x1e: {  	v3 =	vperm.xlane v3, v2;
	v4 =	vadd.s32 v1, v4;
	_ =	sdelay $0x1  }
0x1f: {  	v3 =	vadd.s32 v1, v3;
	_ =	sdelay $0x1  }
0x20: {  	s8 =	simm.s32 $0x200  }
0x21: {  	[tilespmem:s8], [sflag:$0x1] =	stream.indirect_vreg.gather [hbm4b:s4+s2], $0x80, v4, vm0, $0xb8;
	[tilespmem:$0x10200] =	vst v63  }
0x22: {  	s24 =	simm.s32 $0xA00  }
0x23: {  	[tilespmem:s24], [sflag:$0x1] =	stream.indirect_vreg.gather [hbm4b:s4+s2], $0x80, v3, vm0, $0xb8;
	[tilespmem:$0x10200] =	vst v63  }
0x24: {  	v3 =	vld [tilespmem:$0x10];
	_ =	sdelay $0x4  }
0x25: {  	v33 =	vshll.u32 v3, $0x1  }
0x26: {  	v3 =	vand.u32 $0x7, v3;
	v4 =	vand.u32 $0xFFFFFFF0, v33  }
0x27: {  	v3 =	vor.u32 v3, v4  }
0x28: {  	v4 =	vperm.xlane v3, v0;
	_ =	sdelay $0x1  }
0x29: {  	v3 =	vperm.xlane v3, v2;
	v4 =	vadd.s32 v1, v4;
	_ =	sdelay $0x1  }
0x2a: {  	v3 =	vadd.s32 v1, v3;
	_ =	sdelay $0x1  }
0x2b: {  	s25 =	simm.s32 $0x1200  }
0x2c: {  	[tilespmem:s25], [sflag:$0x1] =	stream.indirect_vreg.gather [hbm4b:s4+s2], $0x80, v4, vm0, $0xb8;
	[tilespmem:$0x10200] =	vst v63  }
0x2d: {  	s26 =	simm.s32 $0x1A00  }
0x2e: {  	[tilespmem:s26], [sflag:$0x1] =	stream.indirect_vreg.gather [hbm4b:s4+s2], $0x80, v3, vm0, $0xb8;
	[tilespmem:$0x10200] =	vst v63  }
0x2f: {  	v3 =	vld [tilespmem:$0x20];
	_ =	sdelay $0x4  }
0x30: {  	v34 =	vshll.u32 v3, $0x1  }
0x31: {  	v3 =	vand.u32 $0x7, v3;
	v4 =	vand.u32 $0xFFFFFFF0, v34  }
0x32: {  	v3 =	vor.u32 v3, v4  }
0x33: {  	v4 =	vperm.xlane v3, v0;
	_ =	sdelay $0x1  }
0x34: {  	v3 =	vperm.xlane v3, v2;
	v4 =	vadd.s32 v1, v4;
	_ =	sdelay $0x1  }
0x35: {  	v3 =	vadd.s32 v1, v3;
	_ =	sdelay $0x2  }
0x36: {  	[tilespmem:s28], [sflag:$0x1] =	stream.indirect_vreg.gather [hbm4b:s4+s2], $0x80, v4, vm0, $0xb8;
	[tilespmem:$0x10200] =	vst v63  }
0x37: {  	_ = 	snop  }
0x38: {  	[tilespmem:s29], [sflag:$0x1] =	stream.indirect_vreg.gather [hbm4b:s4+s2], $0x80, v3, vm0, $0xb8;
	[tilespmem:$0x10200] =	vst v63  }
0x39: {  	v3 =	vld [tilespmem:$0x30];
	_ =	sdelay $0x4  }
0x3a: {  	v35 =	vshll.u32 v3, $0x1  }
0x3b: {  	v3 =	vand.u32 $0x7, v3;
	v4 =	vand.u32 $0xFFFFFFF0, v35  }
0x3c: {  	v3 =	vor.u32 v3, v4  }
0x3d: {  	v4 =	vperm.xlane v3, v0;
	_ =	sdelay $0x1  }
0x3e: {  	v3 =	vperm.xlane v3, v2;
	v4 =	vadd.s32 v1, v4;
	_ =	sdelay $0x1  }
0x3f: {  	v3 =	vadd.s32 v1, v3;
	_ =	sdelay $0x2  }
0x40: {  	[tilespmem:s30], [sflag:$0x1] =	stream.indirect_vreg.gather [hbm4b:s4+s2], $0x80, v4, vm0, $0xb8;
	[tilespmem:$0x10200] =	vst v63  }
0x41: {  	_ = 	snop  }
0x42: {  	[tilespmem:s31], [sflag:$0x1] =	stream.indirect_vreg.gather [hbm4b:s4+s2], $0x80, v3, vm0, $0xb8;
	[tilespmem:$0x10200] =	vst v63  }
0x43: {  	v3 =	vld [tilespmem:$0x40];
	_ =	sdelay $0x4  }
0x44: {  	v36 =	vshll.u32 v3, $0x1  }
0x45: {  	v3 =	vand.u32 $0x7, v3;
	v4 =	vand.u32 $0xFFFFFFF0, v36  }
0x46: {  	v3 =	vor.u32 v3, v4  }
0x47: {  	v4 =	vperm.xlane v3, v0;
	_ =	sdelay $0x1  }
0x48: {  	v3 =	vperm.xlane v3, v2;
	v4 =	vadd.s32 v1, v4;
	_ =	sdelay $0x1  }
0x49: {  	v3 =	vadd.s32 v1, v3;
	_ =	sdelay $0x2  }
0x4a: {  	[tilespmem:s23], [sflag:$0x2] =	stream.indirect_vreg.gather [hbm4b:s4+s2], $0x80, v4, vm0, $0xb8;
	[tilespmem:$0x10200] =	vst v63  }
0x4b: {  	s0 =	simm.s32 $0x4A00  }
0x4c: {  	[tilespmem:s0], [sflag:$0x2] =	stream.indirect_vreg.gather [hbm4b:s4+s2], $0x80, v3, vm0, $0xb8;
	[tilespmem:$0x10200] =	vst v63  }
0x4d: {  	v3 =	vld [tilespmem:$0x50];
	_ =	sdelay $0x4  }
0x4e: {  	v37 =	vshll.u32 v3, $0x1  }
0x4f: {  	v3 =	vand.u32 $0x7, v3;
	v4 =	vand.u32 $0xFFFFFFF0, v37  }
0x50: {  	v3 =	vor.u32 v3, v4  }
0x51: {  	v4 =	vperm.xlane v3, v0;
	_ =	sdelay $0x1  }
0x52: {  	v3 =	vperm.xlane v3, v2;
	v4 =	vadd.s32 v1, v4;
	_ =	sdelay $0x1  }
0x53: {  	v3 =	vadd.s32 v1, v3;
	_ =	sdelay $0x1  }
0x54: {  	s8 =	simm.s32 $0x5200  }
0x55: {  	[tilespmem:s8], [sflag:$0x2] =	stream.indirect_vreg.gather [hbm4b:s4+s2], $0x80, v4, vm0, $0xb8;
	[tilespmem:$0x10200] =	vst v63  }
0x56: {  	_ = 	snop  }
0x57: {  	[tilespmem:s9], [sflag:$0x2] =	stream.indirect_vreg.gather [hbm4b:s4+s2], $0x80, v3, vm0, $0xb8;
	[tilespmem:$0x10200] =	vst v63  }
0x58: {  	v3 =	vld [tilespmem:$0x60];
	_ =	sdelay $0x4  }
0x59: {  	v38 =	vshll.u32 v3, $0x1  }
0x5a: {  	v3 =	vand.u32 $0x7, v3;
	v4 =	vand.u32 $0xFFFFFFF0, v38  }
0x5b: {  	v3 =	vor.u32 v3, v4  }
0x5c: {  	v4 =	vperm.xlane v3, v0;
	_ =	sdelay $0x1  }
0x5d: {  	v3 =	vperm.xlane v3, v2;
	v4 =	vadd.s32 v1, v4;
	_ =	sdelay $0x1  }
0x5e: {  	v3 =	vadd.s32 v1, v3;
	_ =	sdelay $0x2  }
0x5f: {  	[tilespmem:s10], [sflag:$0x2] =	stream.indirect_vreg.gather [hbm4b:s4+s2], $0x80, v4, vm0, $0xb8;
	[tilespmem:$0x10200] =	vst v63  }
0x60: {  	_ = 	snop  }
0x61: {  	[tilespmem:s11], [sflag:$0x2] =	stream.indirect_vreg.gather [hbm4b:s4+s2], $0x80, v3, vm0, $0xb8;
	[tilespmem:$0x10200] =	vst v63  }
0x62: {  	v3 =	vld [tilespmem:$0x70];
	_ =	sdelay $0x4  }
0x63: {  	v39 =	vshll.u32 v3, $0x1  }
0x64: {  	v3 =	vand.u32 $0x7, v3;
	v4 =	vand.u32 $0xFFFFFFF0, v39  }
0x65: {  	v3 =	vor.u32 v3, v4  }
0x66: {  	v4 =	vperm.xlane v3, v0;
	_ =	sdelay $0x1  }
0x67: {  	v3 =	vperm.xlane v3, v2;
	v4 =	vadd.s32 v1, v4;
	_ =	sdelay $0x1  }
0x68: {  	v3 =	vadd.s32 v1, v3;
	_ =	sdelay $0x2  }
0x69: {  	[tilespmem:s12], [sflag:$0x2] =	stream.indirect_vreg.gather [hbm4b:s4+s2], $0x80, v4, vm0, $0xb8;
	[tilespmem:$0x10200] =	vst v63  }
0x6a: {  	_ = 	snop  }
0x6b: {  	[tilespmem:s13], [sflag:$0x2] =	stream.indirect_vreg.gather [hbm4b:s4+s2], $0x80, v3, vm0, $0xb8;
	[tilespmem:$0x10200] =	vst v63  }
0x6c: {  	v3 =	vld [tilespmem:$0x80];
	_ =	sdelay $0x4  }
0x6d: {  	v40 =	vshll.u32 v3, $0x1  }
0x6e: {  	v3 =	vand.u32 $0x7, v3;
	v4 =	vand.u32 $0xFFFFFFF0, v40  }
0x6f: {  	v3 =	vor.u32 v3, v4  }
0x70: {  	v4 =	vperm.xlane v3, v0;
	_ =	sdelay $0x1  }
0x71: {  	v3 =	vperm.xlane v3, v2;
	v4 =	vadd.s32 v1, v4;
	_ =	sdelay $0x1  }
0x72: {  	v3 =	vadd.s32 v1, v3;
	_ =	sdelay $0x2  }
0x73: {  	[tilespmem:s1], [sflag:$0x3] =	stream.indirect_vreg.gather [hbm4b:s4+s2], $0x80, v4, vm0, $0xb8;
	[tilespmem:$0x10200] =	vst v63  }
0x74: {  	s3 =	simm.s32 $0x8A00  }
0x75: {  	[tilespmem:s3], [sflag:$0x3] =	stream.indirect_vreg.gather [hbm4b:s4+s2], $0x80, v3, vm0, $0xb8;
	[tilespmem:$0x10200] =	vst v63  }
0x76: {  	v3 =	vld [tilespmem:$0x90];
	_ =	sdelay $0x4  }
0x77: {  	v41 =	vshll.u32 v3, $0x1  }
0x78: {  	v3 =	vand.u32 $0x7, v3;
	v4 =	vand.u32 $0xFFFFFFF0, v41  }
0x79: {  	v3 =	vor.u32 v3, v4  }
0x7a: {  	v4 =	vperm.xlane v3, v0;
	_ =	sdelay $0x1  }
0x7b: {  	v3 =	vperm.xlane v3, v2;
	v4 =	vadd.s32 v1, v4;
	_ =	sdelay $0x1  }
0x7c: {  	v3 =	vadd.s32 v1, v3;
	_ =	sdelay $0x1  }
0x7d: {  	s7 =	simm.s32 $0x9200  }
0x7e: {  	[tilespmem:s7], [sflag:$0x3] =	stream.indirect_vreg.gather [hbm4b:s4+s2], $0x80, v4, vm0, $0xb8;
	[tilespmem:$0x10200] =	vst v63  }
0x7f: {  	_ = 	snop  }
0x80: {  	[tilespmem:s14], [sflag:$0x3] =	stream.indirect_vreg.gather [hbm4b:s4+s2], $0x80, v3, vm0, $0xb8;
	[tilespmem:$0x10200] =	vst v63  }
0x81: {  	v3 =	vld [tilespmem:$0xA0];
	_ =	sdelay $0x4  }
0x82: {  	v42 =	vshll.u32 v3, $0x1  }
0x83: {  	v3 =	vand.u32 $0x7, v3;
	v4 =	vand.u32 $0xFFFFFFF0, v42  }
0x84: {  	v3 =	vor.u32 v3, v4  }
0x85: {  	v4 =	vperm.xlane v3, v0;
	_ =	sdelay $0x1  }
0x86: {  	v3 =	vperm.xlane v3, v2;
	v4 =	vadd.s32 v1, v4;
	_ =	sdelay $0x1  }
0x87: {  	v3 =	vadd.s32 v1, v3;
	_ =	sdelay $0x2  }
0x88: {  	[tilespmem:s15], [sflag:$0x3] =	stream.indirect_vreg.gather [hbm4b:s4+s2], $0x80, v4, vm0, $0xb8;
	[tilespmem:$0x10200] =	vst v63  }
0x89: {  	_ = 	snop  }
0x8a: {  	[tilespmem:s16], [sflag:$0x3] =	stream.indirect_vreg.gather [hbm4b:s4+s2], $0x80, v3, vm0, $0xb8;
	[tilespmem:$0x10200] =	vst v63  }
0x8b: {  	v3 =	vld [tilespmem:$0xB0];
	_ =	sdelay $0x4  }
0x8c: {  	v43 =	vshll.u32 v3, $0x1  }
0x8d: {  	v3 =	vand.u32 $0x7, v3;
	v4 =	vand.u32 $0xFFFFFFF0, v43  }
0x8e: {  	v3 =	vor.u32 v3, v4  }
0x8f: {  	v4 =	vperm.xlane v3, v0;
	_ =	sdelay $0x1  }
0x90: {  	v3 =	vperm.xlane v3, v2;
	v4 =	vadd.s32 v1, v4;
	_ =	sdelay $0x1  }
0x91: {  	v3 =	vadd.s32 v1, v3;
	_ =	sdelay $0x2  }
0x92: {  	[tilespmem:s17], [sflag:$0x3] =	stream.indirect_vreg.gather [hbm4b:s4+s2], $0x80, v4, vm0, $0xb8;
	[tilespmem:$0x10200] =	vst v63  }
0x93: {  	_ = 	snop  }
0x94: {  	[tilespmem:s18], [sflag:$0x3] =	stream.indirect_vreg.gather [hbm4b:s4+s2], $0x80, v3, vm0, $0xb8;
	[tilespmem:$0x10200] =	vst v63  }
0x95: {  	v3 =	vld [tilespmem:$0xC0];
	_ =	sdelay $0x4  }
0x96: {  	v44 =	vshll.u32 v3, $0x1  }
0x97: {  	v3 =	vand.u32 $0x7, v3;
	v4 =	vand.u32 $0xFFFFFFF0, v44  }
0x98: {  	v3 =	vor.u32 v3, v4  }
0x99: {  	v4 =	vperm.xlane v3, v0;
	_ =	sdelay $0x1  }
0x9a: {  	v3 =	vperm.xlane v3, v2;
	v4 =	vadd.s32 v1, v4;
	_ =	sdelay $0x1  }
0x9b: {  	v3 =	vadd.s32 v1, v3;
	_ =	sdelay $0x2  }
0x9c: {  	[tilespmem:s19], [sflag:$0x4] =	stream.indirect_vreg.gather [hbm4b:s4+s2], $0x80, v4, vm0, $0xb8;
	[tilespmem:$0x10200] =	vst v63  }
0x9d: {  	s6 =	simm.s32 $0xCA00  }
0x9e: {  	[tilespmem:s6], [sflag:$0x4] =	stream.indirect_vreg.gather [hbm4b:s4+s2], $0x80, v3, vm0, $0xb8;
	[tilespmem:$0x10200] =	vst v63  }
0x9f: {  	v3 =	vld [tilespmem:$0xD0];
	_ =	sdelay $0x4  }
0xa0: {  	v45 =	vshll.u32 v3, $0x1  }
0xa1: {  	v3 =	vand.u32 $0x7, v3;
	v4 =	vand.u32 $0xFFFFFFF0, v45  }
0xa2: {  	v3 =	vor.u32 v3, v4  }
0xa3: {  	v4 =	vperm.xlane v3, v0;
	_ =	sdelay $0x1  }
0xa4: {  	v3 =	vperm.xlane v3, v2;
	v4 =	vadd.s32 v1, v4;
	_ =	sdelay $0x1  }
0xa5: {  	v3 =	vadd.s32 v1, v3;
	_ =	sdelay $0x1  }
0xa6: {  	s21 =	simm.s32 $0xD200  }
0xa7: {  	[tilespmem:s21], [sflag:$0x4] =	stream.indirect_vreg.gather [hbm4b:s4+s2], $0x80, v4, vm0, $0xb8;
	[tilespmem:$0x10200] =	vst v63  }
0xa8: {  	s21 =	simm.s32 $0xDA00  }
0xa9: {  	[tilespmem:s21], [sflag:$0x4] =	stream.indirect_vreg.gather [hbm4b:s4+s2], $0x80, v3, vm0, $0xb8;
	[tilespmem:$0x10200] =	vst v63  }
0xaa: {  	v3 =	vld [tilespmem:$0xE0];
	_ =	sdelay $0x4  }
0xab: {  	v46 =	vshll.u32 v3, $0x1  }
0xac: {  	v3 =	vand.u32 $0x7, v3;
	v4 =	vand.u32 $0xFFFFFFF0, v46  }
0xad: {  	v3 =	vor.u32 v3, v4  }
0xae: {  	v4 =	vperm.xlane v3, v0;
	_ =	sdelay $0x1  }
0xaf: {  	v3 =	vperm.xlane v3, v2;
	v4 =	vadd.s32 v1, v4;
	_ =	sdelay $0x1  }
0xb0: {  	v3 =	vadd.s32 v1, v3;
	_ =	sdelay $0x1  }
0xb1: {  	s21 =	simm.s32 $0xE200  }
0xb2: {  	[tilespmem:s21], [sflag:$0x4] =	stream.indirect_vreg.gather [hbm4b:s4+s2], $0x80, v4, vm0, $0xb8;
	[tilespmem:$0x10200] =	vst v63  }
0xb3: {  	s21 =	simm.s32 $0xEA00  }
0xb4: {  	[tilespmem:s21], [sflag:$0x4] =	stream.indirect_vreg.gather [hbm4b:s4+s2], $0x80, v3, vm0, $0xb8;
	[tilespmem:$0x10200] =	vst v63  }
0xb5: {  	v3 =	vld [tilespmem:$0xF0];
	_ =	sdelay $0x4  }
0xb6: {  	v47 =	vshll.u32 v3, $0x1  }
0xb7: {  	v3 =	vand.u32 $0x7, v3;
	v4 =	vand.u32 $0xFFFFFFF0, v47  }
0xb8: {  	v3 =	vor.u32 v3, v4  }
0xb9: {  	v4 =	vperm.xlane v3, v0;
	_ =	sdelay $0x1  }
0xba: {  	v3 =	vperm.xlane v3, v2;
	v4 =	vadd.s32 v1, v4;
	_ =	sdelay $0x1  }
0xbb: {  	v3 =	vadd.s32 v1, v3;
	_ =	sdelay $0x1  }
0xbc: {  	s21 =	simm.s32 $0xF200  }
0xbd: {  	[tilespmem:s21], [sflag:$0x4] =	stream.indirect_vreg.gather [hbm4b:s4+s2], $0x80, v4, vm0, $0xb8;
	[tilespmem:$0x10200] =	vst v63  }
0xbe: {  	s21 =	simm.s32 $0xFA00  }
0xbf: {  	[tilespmem:s21], [sflag:$0x4] =	stream.indirect_vreg.gather [hbm4b:s4+s2], $0x80, v3, vm0, $0xb8;
	[tilespmem:$0x10200] =	vst v63  }
0xc0: {  	_ =	swait.ge [sflag:s20], $0x4000  }
0xc1: {  	[sflag:s20] =	ssyncset.done $0x0  }
0xc2: {  	s21 =	simm.s32 $0x200;
	s6 =	rddreg [dreg:$0xb];
	[sflag:s20] =	ssyncadd.s32 $0xFFFFC000  }
0xc3: {  	[hbm4b:s6+s2] =	stream.linear.scatter [tilespmem:s21], [sflag:$0x5], $0x4000, $0x38;
	[tilespmem:$0x10200] =	vst v63  }
0xc4: {  	s6 =	simm.s32 $0x5  }
0xc5: {  	_ =	swait.ge [sflag:s6], $0x4000  }
0xc6: {  	[sflag:s6] =	ssyncset.done $0x0  }
0xc7: {  	[sflag:s6] =	ssyncadd.s32 $0xFFFFC000  }
0xc8: {  	v3 =	vld [tilespmem:$0x100];
	_ =	sdelay $0x4  }
0xc9: {  	v48 =	vshll.u32 v3, $0x1  }
0xca: {  	v3 =	vand.u32 $0x7, v3;
	v4 =	vand.u32 $0xFFFFFFF0, v48  }
0xcb: {  	v3 =	vor.u32 v3, v4  }
0xcc: {  	v4 =	vperm.xlane v3, v0;
	_ =	sdelay $0x1  }
0xcd: {  	v3 =	vperm.xlane v3, v2;
	v4 =	vadd.s32 v1, v4;
	_ =	sdelay $0x1  }
0xce: {  	v3 =	vadd.s32 v1, v3;
	_ =	sdelay $0x2  }
0xcf: {  	[tilespmem:s21], [sflag:$0x1] =	stream.indirect_vreg.gather [hbm4b:s4+s2], $0x80, v4, vm0, $0xb8;
	[tilespmem:$0x10200] =	vst v63  }
0xd0: {  	_ = 	snop  }
0xd1: {  	[tilespmem:s24], [sflag:$0x1] =	stream.indirect_vreg.gather [hbm4b:s4+s2], $0x80, v3, vm0, $0xb8;
	[tilespmem:$0x10200] =	vst v63  }
0xd2: {  	v3 =	vld [tilespmem:$0x110];
	_ =	sdelay $0x4  }
0xd3: {  	v49 =	vshll.u32 v3, $0x1  }
0xd4: {  	v3 =	vand.u32 $0x7, v3;
	v4 =	vand.u32 $0xFFFFFFF0, v49  }
0xd5: {  	v3 =	vor.u32 v3, v4  }
0xd6: {  	v4 =	vperm.xlane v3, v0;
	_ =	sdelay $0x1  }
0xd7: {  	v3 =	vperm.xlane v3, v2;
	v4 =	vadd.s32 v1, v4;
	_ =	sdelay $0x1  }
0xd8: {  	v3 =	vadd.s32 v1, v3;
	_ =	sdelay $0x2  }
0xd9: {  	[tilespmem:s25], [sflag:$0x1] =	stream.indirect_vreg.gather [hbm4b:s4+s2], $0x80, v4, vm0, $0xb8;
	[tilespmem:$0x10200] =	vst v63  }
0xda: {  	_ = 	snop  }
0xdb: {  	[tilespmem:s26], [sflag:$0x1] =	stream.indirect_vreg.gather [hbm4b:s4+s2], $0x80, v3, vm0, $0xb8;
	[tilespmem:$0x10200] =	vst v63  }
0xdc: {  	v3 =	vld [tilespmem:$0x120];
	_ =	sdelay $0x4  }
0xdd: {  	v50 =	vshll.u32 v3, $0x1  }
0xde: {  	v3 =	vand.u32 $0x7, v3;
	v4 =	vand.u32 $0xFFFFFFF0, v50  }
0xdf: {  	v3 =	vor.u32 v3, v4  }
0xe0: {  	v4 =	vperm.xlane v3, v0;
	_ =	sdelay $0x1  }
0xe1: {  	v3 =	vperm.xlane v3, v2;
	v4 =	vadd.s32 v1, v4;
	_ =	sdelay $0x1  }
0xe2: {  	v3 =	vadd.s32 v1, v3;
	_ =	sdelay $0x2  }
0xe3: {  	[tilespmem:s28], [sflag:$0x1] =	stream.indirect_vreg.gather [hbm4b:s4+s2], $0x80, v4, vm0, $0xb8;
	[tilespmem:$0x10200] =	vst v63  }
0xe4: {  	_ = 	snop  }
0xe5: {  	[tilespmem:s29], [sflag:$0x1] =	stream.indirect_vreg.gather [hbm4b:s4+s2], $0x80, v3, vm0, $0xb8;
	[tilespmem:$0x10200] =	vst v63  }
0xe6: {  	v3 =	vld [tilespmem:$0x130];
	_ =	sdelay $0x4  }
0xe7: {  	v51 =	vshll.u32 v3, $0x1  }
0xe8: {  	v3 =	vand.u32 $0x7, v3;
	v4 =	vand.u32 $0xFFFFFFF0, v51  }
0xe9: {  	v3 =	vor.u32 v3, v4  }
0xea: {  	v4 =	vperm.xlane v3, v0;
	_ =	sdelay $0x1  }
0xeb: {  	v3 =	vperm.xlane v3, v2;
	v4 =	vadd.s32 v1, v4;
	_ =	sdelay $0x1  }
0xec: {  	v3 =	vadd.s32 v1, v3;
	_ =	sdelay $0x2  }
0xed: {  	[tilespmem:s30], [sflag:$0x1] =	stream.indirect_vreg.gather [hbm4b:s4+s2], $0x80, v4, vm0, $0xb8;
	[tilespmem:$0x10200] =	vst v63  }
0xee: {  	s25 =	simm.s32 $0x2  }
0xef: {  	[tilespmem:s31], [sflag:$0x1] =	stream.indirect_vreg.gather [hbm4b:s4+s2], $0x80, v3, vm0, $0xb8;
	[tilespmem:$0x10200] =	vst v63  }
0xf0: {  	_ =	swait.ge [sflag:s25], $0x4000  }
0xf1: {  	[sflag:s25] =	ssyncset.done $0x0  }
0xf2: {  	s26 =	rddreg [dreg:$0x4];
	[sflag:s25] =	ssyncadd.s32 $0xFFFFC000  }
0xf3: {  	[hbm4b:s26+s2] =	stream.linear.scatter [tilespmem:s23], [sflag:$0x6], $0x4000, $0x38;
	[tilespmem:$0x10200] =	vst v63  }
0xf4: {  	s26 =	simm.s32 $0x6  }
0xf5: {  	_ =	swait.ge [sflag:s26], $0x4000  }
0xf6: {  	[sflag:s26] =	ssyncset.done $0x0  }
0xf7: {  	[sflag:s26] =	ssyncadd.s32 $0xFFFFC000  }
0xf8: {  	v3 =	vld [tilespmem:$0x140];
	_ =	sdelay $0x4  }
0xf9: {  	v52 =	vshll.u32 v3, $0x1  }
0xfa: {  	v3 =	vand.u32 $0x7, v3;
	v4 =	vand.u32 $0xFFFFFFF0, v52  }
0xfb: {  	v3 =	vor.u32 v3, v4  }
0xfc: {  	v4 =	vperm.xlane v3, v0;
	_ =	sdelay $0x1  }
0xfd: {  	v3 =	vperm.xlane v3, v2;
	v4 =	vadd.s32 v1, v4;
	_ =	sdelay $0x1  }
0xfe: {  	v3 =	vadd.s32 v1, v3;
	_ =	sdelay $0x2  }
0xff: {  	[tilespmem:s23], [sflag:$0x2] =	stream.indirect_vreg.gather [hbm4b:s4+s2], $0x80, v4, vm0, $0xb8;
	[tilespmem:$0x10200] =	vst v63  }
0x100: {  	_ = 	snop  }
0x101: {  	[tilespmem:s0], [sflag:$0x2] =	stream.indirect_vreg.gather [hbm4b:s4+s2], $0x80, v3, vm0, $0xb8;
	[tilespmem:$0x10200] =	vst v63  }
0x102: {  	v3 =	vld [tilespmem:$0x150];
	_ =	sdelay $0x4  }
0x103: {  	v53 =	vshll.u32 v3, $0x1  }
0x104: {  	v3 =	vand.u32 $0x7, v3;
	v4 =	vand.u32 $0xFFFFFFF0, v53  }
0x105: {  	v3 =	vor.u32 v3, v4  }
0x106: {  	v4 =	vperm.xlane v3, v0;
	_ =	sdelay $0x1  }
0x107: {  	v3 =	vperm.xlane v3, v2;
	v4 =	vadd.s32 v1, v4;
	_ =	sdelay $0x1  }
0x108: {  	v3 =	vadd.s32 v1, v3;
	_ =	sdelay $0x2  }
0x109: {  	[tilespmem:s8], [sflag:$0x2] =	stream.indirect_vreg.gather [hbm4b:s4+s2], $0x80, v4, vm0, $0xb8;
	[tilespmem:$0x10200] =	vst v63  }
0x10a: {  	_ = 	snop  }
0x10b: {  	[tilespmem:s9], [sflag:$0x2] =	stream.indirect_vreg.gather [hbm4b:s4+s2], $0x80, v3, vm0, $0xb8;
	[tilespmem:$0x10200] =	vst v63  }
0x10c: {  	v3 =	vld [tilespmem:$0x160];
	_ =	sdelay $0x4  }
0x10d: {  	v54 =	vshll.u32 v3, $0x1  }
0x10e: {  	v3 =	vand.u32 $0x7, v3;
	v4 =	vand.u32 $0xFFFFFFF0, v54  }
0x10f: {  	v3 =	vor.u32 v3, v4  }
0x110: {  	v4 =	vperm.xlane v3, v0;
	_ =	sdelay $0x1  }
0x111: {  	v3 =	vperm.xlane v3, v2;
	v4 =	vadd.s32 v1, v4;
	_ =	sdelay $0x1  }
0x112: {  	v3 =	vadd.s32 v1, v3;
	_ =	sdelay $0x2  }
0x113: {  	[tilespmem:s10], [sflag:$0x2] =	stream.indirect_vreg.gather [hbm4b:s4+s2], $0x80, v4, vm0, $0xb8;
	[tilespmem:$0x10200] =	vst v63  }
0x114: {  	_ = 	snop  }
0x115: {  	[tilespmem:s11], [sflag:$0x2] =	stream.indirect_vreg.gather [hbm4b:s4+s2], $0x80, v3, vm0, $0xb8;
	[tilespmem:$0x10200] =	vst v63  }
0x116: {  	v3 =	vld [tilespmem:$0x170];
	_ =	sdelay $0x4  }
0x117: {  	v55 =	vshll.u32 v3, $0x1  }
0x118: {  	v3 =	vand.u32 $0x7, v3;
	v4 =	vand.u32 $0xFFFFFFF0, v55  }
0x119: {  	v3 =	vor.u32 v3, v4  }
0x11a: {  	v4 =	vperm.xlane v3, v0;
	_ =	sdelay $0x1  }
0x11b: {  	v3 =	vperm.xlane v3, v2;
	v4 =	vadd.s32 v1, v4;
	_ =	sdelay $0x1  }
0x11c: {  	v3 =	vadd.s32 v1, v3;
	_ =	sdelay $0x2  }
0x11d: {  	[tilespmem:s12], [sflag:$0x2] =	stream.indirect_vreg.gather [hbm4b:s4+s2], $0x80, v4, vm0, $0xb8;
	[tilespmem:$0x10200] =	vst v63  }
0x11e: {  	s0 =	simm.s32 $0x3  }
0x11f: {  	[tilespmem:s13], [sflag:$0x2] =	stream.indirect_vreg.gather [hbm4b:s4+s2], $0x80, v3, vm0, $0xb8;
	[tilespmem:$0x10200] =	vst v63  }
0x120: {  	_ =	swait.ge [sflag:s0], $0x4000  }
0x121: {  	[sflag:s0] =	ssyncset.done $0x0  }
0x122: {  	s8 =	rddreg [dreg:$0x5];
	[sflag:s0] =	ssyncadd.s32 $0xFFFFC000  }
0x123: {  	[hbm4b:s8+s2] =	stream.linear.scatter [tilespmem:s1], [sflag:$0x7], $0x4000, $0x38;
	[tilespmem:$0x10200] =	vst v63  }
0x124: {  	s8 =	simm.s32 $0x7  }
0x125: {  	_ =	swait.ge [sflag:s8], $0x4000  }
0x126: {  	[sflag:s8] =	ssyncset.done $0x0  }
0x127: {  	[sflag:s8] =	ssyncadd.s32 $0xFFFFC000  }
0x128: {  	v3 =	vld [tilespmem:$0x180];
	_ =	sdelay $0x4  }
0x129: {  	v56 =	vshll.u32 v3, $0x1  }
0x12a: {  	v3 =	vand.u32 $0x7, v3;
	v4 =	vand.u32 $0xFFFFFFF0, v56  }
0x12b: {  	v3 =	vor.u32 v3, v4  }
0x12c: {  	v4 =	vperm.xlane v3, v0;
	_ =	sdelay $0x1  }
0x12d: {  	v3 =	vperm.xlane v3, v2;
	v4 =	vadd.s32 v1, v4;
	_ =	sdelay $0x1  }
0x12e: {  	v3 =	vadd.s32 v1, v3;
	_ =	sdelay $0x2  }
0x12f: {  	[tilespmem:s1], [sflag:$0x3] =	stream.indirect_vreg.gather [hbm4b:s4+s2], $0x80, v4, vm0, $0xb8;
	[tilespmem:$0x10200] =	vst v63  }
0x130: {  	_ = 	snop  }
0x131: {  	[tilespmem:s3], [sflag:$0x3] =	stream.indirect_vreg.gather [hbm4b:s4+s2], $0x80, v3, vm0, $0xb8;
	[tilespmem:$0x10200] =	vst v63  }
0x132: {  	v3 =	vld [tilespmem:$0x190];
	_ =	sdelay $0x4  }
0x133: {  	v57 =	vshll.u32 v3, $0x1  }
0x134: {  	v3 =	vand.u32 $0x7, v3;
	v4 =	vand.u32 $0xFFFFFFF0, v57  }
0x135: {  	v3 =	vor.u32 v3, v4  }
0x136: {  	v4 =	vperm.xlane v3, v0;
	_ =	sdelay $0x1  }
0x137: {  	v3 =	vperm.xlane v3, v2;
	v4 =	vadd.s32 v1, v4;
	_ =	sdelay $0x1  }
0x138: {  	v3 =	vadd.s32 v1, v3;
	_ =	sdelay $0x2  }
0x139: {  	[tilespmem:s7], [sflag:$0x3] =	stream.indirect_vreg.gather [hbm4b:s4+s2], $0x80, v4, vm0, $0xb8;
	[tilespmem:$0x10200] =	vst v63  }
0x13a: {  	_ = 	snop  }
0x13b: {  	[tilespmem:s14], [sflag:$0x3] =	stream.indirect_vreg.gather [hbm4b:s4+s2], $0x80, v3, vm0, $0xb8;
	[tilespmem:$0x10200] =	vst v63  }
0x13c: {  	v3 =	vld [tilespmem:$0x1A0];
	_ =	sdelay $0x4  }
0x13d: {  	v58 =	vshll.u32 v3, $0x1  }
0x13e: {  	v3 =	vand.u32 $0x7, v3;
	v4 =	vand.u32 $0xFFFFFFF0, v58  }
0x13f: {  	v3 =	vor.u32 v3, v4  }
0x140: {  	v4 =	vperm.xlane v3, v0;
	_ =	sdelay $0x1  }
0x141: {  	v3 =	vperm.xlane v3, v2;
	v4 =	vadd.s32 v1, v4;
	_ =	sdelay $0x1  }
0x142: {  	v3 =	vadd.s32 v1, v3;
	_ =	sdelay $0x2  }
0x143: {  	[tilespmem:s15], [sflag:$0x3] =	stream.indirect_vreg.gather [hbm4b:s4+s2], $0x80, v4, vm0, $0xb8;
	[tilespmem:$0x10200] =	vst v63  }
0x144: {  	_ = 	snop  }
0x145: {  	[tilespmem:s16], [sflag:$0x3] =	stream.indirect_vreg.gather [hbm4b:s4+s2], $0x80, v3, vm0, $0xb8;
	[tilespmem:$0x10200] =	vst v63  }
0x146: {  	v3 =	vld [tilespmem:$0x1B0];
	_ =	sdelay $0x4  }
0x147: {  	v59 =	vshll.u32 v3, $0x1  }
0x148: {  	v3 =	vand.u32 $0x7, v3;
	v4 =	vand.u32 $0xFFFFFFF0, v59  }
0x149: {  	v3 =	vor.u32 v3, v4  }
0x14a: {  	v4 =	vperm.xlane v3, v0;
	_ =	sdelay $0x1  }
0x14b: {  	v3 =	vperm.xlane v3, v2;
	v4 =	vadd.s32 v1, v4;
	_ =	sdelay $0x1  }
0x14c: {  	v3 =	vadd.s32 v1, v3;
	_ =	sdelay $0x2  }
0x14d: {  	[tilespmem:s17], [sflag:$0x3] =	stream.indirect_vreg.gather [hbm4b:s4+s2], $0x80, v4, vm0, $0xb8;
	[tilespmem:$0x10200] =	vst v63  }
0x14e: {  	s3 =	simm.s32 $0x4  }
0x14f: {  	[tilespmem:s18], [sflag:$0x3] =	stream.indirect_vreg.gather [hbm4b:s4+s2], $0x80, v3, vm0, $0xb8;
	[tilespmem:$0x10200] =	vst v63  }
0x150: {  	_ =	swait.ge [sflag:s3], $0x4000  }
0x151: {  	[sflag:s3] =	ssyncset.done $0x0  }
0x152: {  	s7 =	rddreg [dreg:$0x6];
	[sflag:s3] =	ssyncadd.s32 $0xFFFFC000  }
0x153: {  	[hbm4b:s7+s2] =	stream.linear.scatter [tilespmem:s19], [sflag:$0x8], $0x4000, $0x38;
	[tilespmem:$0x10200] =	vst v63  }
0x154: {  	_ =	swait.ge [sflag:s22], $0x4000  }
0x155: {  	[sflag:s22] =	ssyncset.done $0x0  }
0x156: {  	[sflag:s22] =	ssyncadd.s32 $0xFFFFC000  }
0x157: {  	v3 =	vld [tilespmem:$0x1C0];
	_ =	sdelay $0x4  }
0x158: {  	v60 =	vshll.u32 v3, $0x1  }
0x159: {  	v3 =	vand.u32 $0x7, v3;
	v4 =	vand.u32 $0xFFFFFFF0, v60  }
0x15a: {  	v3 =	vor.u32 v3, v4  }
0x15b: {  	v4 =	vperm.xlane v3, v0;
	_ =	sdelay $0x1  }
0x15c: {  	v3 =	vperm.xlane v3, v2;
	v4 =	vadd.s32 v1, v4;
	_ =	sdelay $0x1  }
0x15d: {  	v3 =	vadd.s32 v1, v3;
	_ =	sdelay $0x2  }
0x15e: {  	[tilespmem:s19], [sflag:$0x4] =	stream.indirect_vreg.gather [hbm4b:s4+s2], $0x80, v4, vm0, $0xb8;
	[tilespmem:$0x10200] =	vst v63  }
0x15f: {  	s24 =	simm.s32 $0xCA00  }
0x160: {  	[tilespmem:s24], [sflag:$0x4] =	stream.indirect_vreg.gather [hbm4b:s4+s2], $0x80, v3, vm0, $0xb8;
	[tilespmem:$0x10200] =	vst v63  }
0x161: {  	v3 =	vld [tilespmem:$0x1D0];
	_ =	sdelay $0x4  }
0x162: {  	v61 =	vshll.u32 v3, $0x1  }
0x163: {  	v3 =	vand.u32 $0x7, v3;
	v4 =	vand.u32 $0xFFFFFFF0, v61  }
0x164: {  	v3 =	vor.u32 v3, v4  }
0x165: {  	v4 =	vperm.xlane v3, v0;
	_ =	sdelay $0x1  }
0x166: {  	v3 =	vperm.xlane v3, v2;
	v4 =	vadd.s32 v1, v4;
	_ =	sdelay $0x1  }
0x167: {  	v3 =	vadd.s32 v1, v3;
	_ =	sdelay $0x1  }
0x168: {  	s24 =	simm.s32 $0xD200  }
0x169: {  	[tilespmem:s24], [sflag:$0x4] =	stream.indirect_vreg.gather [hbm4b:s4+s2], $0x80, v4, vm0, $0xb8;
	[tilespmem:$0x10200] =	vst v63  }
0x16a: {  	s24 =	simm.s32 $0xDA00  }
0x16b: {  	[tilespmem:s24], [sflag:$0x4] =	stream.indirect_vreg.gather [hbm4b:s4+s2], $0x80, v3, vm0, $0xb8;
	[tilespmem:$0x10200] =	vst v63  }
0x16c: {  	v3 =	vld [tilespmem:$0x1E0];
	_ =	sdelay $0x4  }
0x16d: {  	v62 =	vshll.u32 v3, $0x1  }
0x16e: {  	v3 =	vand.u32 $0x7, v3;
	v4 =	vand.u32 $0xFFFFFFF0, v62  }
0x16f: {  	v3 =	vor.u32 v3, v4  }
0x170: {  	v4 =	vperm.xlane v3, v0;
	_ =	sdelay $0x1  }
0x171: {  	v3 =	vperm.xlane v3, v2;
	v4 =	vadd.s32 v1, v4;
	_ =	sdelay $0x1  }
0x172: {  	v3 =	vadd.s32 v1, v3;
	_ =	sdelay $0x1  }
0x173: {  	s24 =	simm.s32 $0xE200  }
0x174: {  	[tilespmem:s24], [sflag:$0x4] =	stream.indirect_vreg.gather [hbm4b:s4+s2], $0x80, v4, vm0, $0xb8;
	[tilespmem:$0x10200] =	vst v63  }
0x175: {  	s24 =	simm.s32 $0xEA00  }
0x176: {  	[tilespmem:s24], [sflag:$0x4] =	stream.indirect_vreg.gather [hbm4b:s4+s2], $0x80, v3, vm0, $0xb8;
	[tilespmem:$0x10200] =	vst v63  }
0x177: {  	v3 =	vld [tilespmem:$0x1F0];
	_ =	sdelay $0x4  }
0x178: {  	v63 =	vshll.u32 v3, $0x1  }
0x179: {  	v3 =	vand.u32 $0x7, v3;
	v4 =	vand.u32 $0xFFFFFFF0, v63  }
0x17a: {  	v3 =	vor.u32 v3, v4  }
0x17b: {  	v4 =	vperm.xlane v3, v0;
	_ =	sdelay $0x1  }
0x17c: {  	v3 =	vperm.xlane v3, v2;
	v4 =	vadd.s32 v1, v4;
	_ =	sdelay $0x1  }
0x17d: {  	v3 =	vadd.s32 v1, v3;
	_ =	sdelay $0x1  }
0x17e: {  	s24 =	simm.s32 $0xF200  }
0x17f: {  	[tilespmem:s24], [sflag:$0x4] =	stream.indirect_vreg.gather [hbm4b:s4+s2], $0x80, v4, vm0, $0xb8;
	[tilespmem:$0x10200] =	vst v63  }
0x180: {  	s24 =	simm.s32 $0xFA00  }
0x181: {  	[tilespmem:s24], [sflag:$0x4] =	stream.indirect_vreg.gather [hbm4b:s4+s2], $0x80, v3, vm0, $0xb8;
	[tilespmem:$0x10200] =	vst v63  }
0x182: {  	_ =	swait.ge [sflag:s20], $0x4000  }
0x183: {  	[sflag:s20] =	ssyncset.done $0x0  }
0x184: {  	s21 =	simm.s32 $0x200;
	s7 =	rddreg [dreg:$0x7];
	[sflag:s20] =	ssyncadd.s32 $0xFFFFC000  }
0x185: {  	[hbm4b:s7+s2] =	stream.linear.scatter [tilespmem:s21], [sflag:$0x5], $0x4000, $0x38;
	[tilespmem:$0x10200] =	vst v63  }
0x186: {  	_ =	swait.ge [sflag:s25], $0x4000  }
0x187: {  	[sflag:s25] =	ssyncset.done $0x0  }
0x188: {  	s7 =	rddreg [dreg:$0x8];
	[sflag:s25] =	ssyncadd.s32 $0xFFFFC000  }
0x189: {  	[hbm4b:s7+s2] =	stream.linear.scatter [tilespmem:s23], [sflag:$0x6], $0x4000, $0x38;
	[tilespmem:$0x10200] =	vst v63  }
0x18a: {  	_ =	swait.ge [sflag:s0], $0x4000  }
0x18b: {  	[sflag:s0] =	ssyncset.done $0x0  }
0x18c: {  	s21 =	rddreg [dreg:$0x9];
	[sflag:s0] =	ssyncadd.s32 $0xFFFFC000  }
0x18d: {  	[hbm4b:s21+s2] =	stream.linear.scatter [tilespmem:s1], [sflag:$0x7], $0x4000, $0x38;
	[tilespmem:$0x10200] =	vst v63  }
0x18e: {  	_ =	swait.ge [sflag:s3], $0x4000  }
0x18f: {  	[sflag:s3] =	ssyncset.done $0x0  }
0x190: {  	s25 =	rddreg [dreg:$0xa];
	[sflag:s3] =	ssyncadd.s32 $0xFFFFC000  }
0x191: {  	[hbm4b:s25+s2] =	stream.linear.scatter [tilespmem:s19], [sflag:$0x8], $0x4000, $0x38;
	[tilespmem:$0x10200] =	vst v63  }
0x192: {  	_ =	swait.ge [sflag:s6], $0x4000  }
0x193: {  	[sflag:s6] =	ssyncset.done $0x0  }
0x194: {  	[sflag:s6] =	ssyncadd.s32 $0xFFFFC000  }
0x195: {  	_ =	swait.ge [sflag:s26], $0x4000  }
0x196: {  	[sflag:s26] =	ssyncset.done $0x0  }
0x197: {  	[sflag:s26] =	ssyncadd.s32 $0xFFFFC000  }
0x198: {  	p0 =	sne.s32 s5, $0x1;
	_ =	swait.ge [sflag:s8], $0x4000  }
.Ltmp0:
0x199: {  	[sflag:s8] =	ssyncset.done $0x0;
	(pc) =	sbr.rel @p0 .LBB2_1-.Ltmp0, $4  }
0x19a: {  	[sflag:s8] =	ssyncadd.s32 $0xFFFFC000  }
0x19b: {  	_ =	swait.ge [sflag:s22], $0x4000  }
0x19c: {  	[sflag:s22] =	ssyncset.done $0x0  }
0x19d: {  	s5 =	sadd.s32 $0xFFFFFFFF, s5;
	[sflag:s22] =	ssyncadd.s32 $0xFFFFC000  }
0x19e: {  	_ =	sfence.sel $0x180000  }
0x19f: {  	[bflag:$0x0] =	sbarrier.arrive $0xFFFF  }
0x1a0: {  	_ =	strace $0x90000047  }
0x1a1: {  	s0 =	stileid.u32;
	[bflag:$0x2] =	sbarrier.arrive $0xFFFF  }
0x1a2: {  	p0 =	sne.s32 s0, $0x0;
	s0 =	rddreg [dreg:$0x2]  }
0x1a3: {  	s0 =	sadd.s32 @!p0 $0x100000, s0  }
0x1a4: {  	[sflag:s0] =	ssyncadd.tile.s32 @!p0 $0x1;
	_ =	shalt  }
.Lfunc_end2:
_tile_overlayer_lowered:
.L_overlay_start_2:
0x1a5: {  	(tag) =	ssettag $0x2  }
0x1a6: {  	s0 =	rddreg [dreg:$0x0];
	s2 =	stileid.u32  }
0x1a7: {  	s1 =	rddreg [dreg:$0x1];
	p0 =	sne.s32 s2, $0x0  }
0x1a8: {  	s3 =	rddreg [dreg:$0x2];
	[bflag:$0x3] =	sbarrier.arrive $0xFFFF;
	s2 =	simm.s32 @!p0 $0x1C09  }
0x1a9: {  	[timem:s3], [sflag:s2] =	dma.local @!p0 [hbm:s0], s1  }
0x1aa: {  	s0 =	simm.s32 @!p0 $0x9  }
0x1ab: {  	_ =	swait.ge @!p0 [sflag:s0], s1  }
0x1ac: {  	s1 =	ssub.s32 @!p0 $0x0, s1;
	[sflag:s0] =	ssyncset.done @!p0 $0x0  }
0x1ad: {  	[sflag:s0] =	ssyncadd.s32 @!p0 s1  }
0x1ae: {  	[bflag:$0x3] =	sbarrier.arrive $0xFFFF  }
0x1af: {  	_ =	shalt  }

</sc_bundles>
